<compile_context>
chip_gen: v7x
topology: tpu7x:2x2x1
jax: 0.10.2.dev20260603
libtpu: 0.0.44.dev20260713+nightly
codegen_flags: <defaults>
</compile_context>

<pallas_src>
import functools

import jax
import jax.numpy as jnp
from jax import lax
from jax.experimental import pallas as pl
from jax.experimental.pallas import tpu as pltpu
from jax.experimental.pallas import tpu_sc as plsc

E = 800000
D = 64
V1, V2, V3 = 8, 23, 3
NTAB = V1 * V2 * V3
B = 128
NW = 32


def _table_body(w1_ref, w2_ref, w3_ref, out_ref):
    r = lax.broadcasted_iota(jnp.int32, (NTAB, V1), 0) // (V2 * V3)
    c = lax.broadcasted_iota(jnp.int32, (NTAB, V1), 1)
    t = jnp.dot((r == c).astype(jnp.float32), w1_ref[...],
                preferred_element_type=jnp.float32,
                precision=lax.Precision.HIGHEST)
    r = (lax.broadcasted_iota(jnp.int32, (NTAB, V2), 0) % (V2 * V3)) // V3
    c = lax.broadcasted_iota(jnp.int32, (NTAB, V2), 1)
    t = t + jnp.dot((r == c).astype(jnp.float32), w2_ref[...],
                    preferred_element_type=jnp.float32,
                precision=lax.Precision.HIGHEST)
    r = lax.broadcasted_iota(jnp.int32, (NTAB, V3), 0) % V3
    c = lax.broadcasted_iota(jnp.int32, (NTAB, V3), 1)
    t = t + jnp.dot((r == c).astype(jnp.float32), w3_ref[...],
                    preferred_element_type=jnp.float32,
                precision=lax.Precision.HIGHEST)
    out_ref[...] = t


def _build_table(w1, w2, w3):
    return pl.pallas_call(
        _table_body,
        out_shape=jax.ShapeDtypeStruct((NTAB, D), jnp.float32),
    )(w1, w2, w3)


NBUF = 4


def _sc_lookup(bd, bt, ir, table):
    n = bd.shape[0]
    NB = n // B
    nfull = NB // NW
    nrem = NB % NW
    NT = nfull + (1 if nrem else 0)
    assert n % B == 0 and NT % NBUF == 0
    NOUT = NT // NBUF
    mesh = plsc.VectorSubcoreMesh(core_axis_name="c", subcore_axis_name="s")

    per_buf = [
        pltpu.VMEM((B,), jnp.int32),
        pltpu.VMEM((B,), jnp.int32),
        pltpu.VMEM((B,), jnp.int32),
        pltpu.VMEM((B,), jnp.int32),
        pltpu.VMEM((B, D), jnp.float32),
        pltpu.SemaphoreType.DMA,
        pltpu.SemaphoreType.DMA,
        pltpu.SemaphoreType.DMA,
    ]

    @functools.partial(
        pl.kernel,
        mesh=mesh,
        out_type=jax.ShapeDtypeStruct((n, D), jnp.float32),
        compiler_params=pltpu.CompilerParams(use_tc_tiling_on_sc=False),
        scratch_types=per_buf * NBUF,
    )
    def k(bd_hbm, bt_hbm, ir_hbm, t_hbm, out_hbm, *scratch):
        bufs = [scratch[i * 8:(i + 1) * 8] for i in range(NBUF)]
        wid = lax.axis_index("s") * 2 + lax.axis_index("c")

        def base_of(j):
            return jnp.minimum(j * NW + wid, NB - 1) * B

        def fire_idx(j, p):
            bd_v, bt_v, ir_v, _, _, si, _, _ = bufs[p]
            base = base_of(j)
            pltpu.async_copy(bd_hbm.at[pl.ds(base, B)], bd_v, si)
            pltpu.async_copy(bt_hbm.at[pl.ds(base, B)], bt_v, si)
            pltpu.async_copy(ir_hbm.at[pl.ds(base, B)], ir_v, si)

        def wait_idx(p):
            bd_v, bt_v, ir_v, _, _, si, _, _ = bufs[p]
            pltpu.make_async_copy(bd_hbm.at[pl.ds(0, B)], bd_v, si).wait()
            pltpu.make_async_copy(bt_hbm.at[pl.ds(0, B)], bt_v, si).wait()
            pltpu.make_async_copy(ir_hbm.at[pl.ds(0, B)], ir_v, si).wait()

        def wait_store(p):
            rows_v, ss = bufs[p][4], bufs[p][7]
            pltpu.make_async_copy(rows_v, out_hbm.at[pl.ds(0, B)], ss).wait()

        for p in range(NBUF):
            fire_idx(p, p)

        def body(i, carry):
            for p in range(NBUF):
                bd_v, bt_v, ir_v, cidx_v, rows_v, si, sg, ss = bufs[p]
                wait_idx(p)
                for g in range(B // 16):
                    s = pl.ds(g * 16, 16)
                    cidx_v[s] = bd_v[s] * (V2 * V3) + bt_v[s] * V3 + ir_v[s]

                @pl.when(i > 0)
                def _drain_store(p=p):
                    wait_store(p)

                pltpu.async_copy(t_hbm.at[cidx_v], rows_v, sg)

            @pl.when(i + 1 < NOUT)
            def _prefetch():
                for p in range(NBUF):
                    fire_idx((i + 1) * NBUF + p, p)

            for p in range(NBUF):
                _, _, _, _, rows_v, si, sg, ss = bufs[p]
                pltpu.make_async_copy(t_hbm.at[pl.ds(0, B)], rows_v, sg).wait()
                pltpu.async_copy(rows_v,
                                 out_hbm.at[pl.ds(base_of(i * NBUF + p), B)],
                                 ss)
            return carry

        lax.fori_loop(0, NOUT, body, 0)

        for p in range(NBUF):
            wait_store(p)

    return k(bd, bt, ir, table)


def kernel(bond_dir, bond_type, is_in_ring, W_bond_dir, W_bond_type,
           W_is_in_ring):
    table = _build_table(W_bond_dir, W_bond_type, W_is_in_ring)
    bd = bond_dir.astype(jnp.int32)
    bt = bond_type.astype(jnp.int32)
    ir = is_in_ring.astype(jnp.int32)
    return _sc_lookup(bd, bt, ir, table)

# --- scband reference (transcript-rebuilt; emitter-appended) ---
"""Pipeline reference for scband-bond-embedding-45681272160595 (READ-ONLY COPY).

The authoritative reference and input builder live on the scoring server;
editing this copy changes nothing except your own understanding.
"""

import jax, jax.numpy as jnp
import numpy as np

E = 800000
D = 64
# vocab sizes = CompoundKit.get_bond_feature_size(name) + 1
V_BOND_DIR = 8
V_BOND_TYPE = 23
V_IS_IN_RING = 3

def setup_inputs(seed: int = 0) -> dict:
    key = jax.random.key(seed)
    k1, k2, k3, k4, k5, k6 = jax.random.split(key, 6)
    bond_dir = jax.random.randint(k1, (E,), 0, V_BOND_DIR, dtype=jnp.int64 if jax.config.jax_enable_x64 else jnp.int32)
    bond_type = jax.random.randint(k2, (E,), 0, V_BOND_TYPE, dtype=jnp.int64 if jax.config.jax_enable_x64 else jnp.int32)
    is_in_ring = jax.random.randint(k3, (E,), 0, V_IS_IN_RING, dtype=jnp.int64 if jax.config.jax_enable_x64 else jnp.int32)
    W_bond_dir = jax.random.normal(k4, (V_BOND_DIR, D), dtype=jnp.float32)
    W_bond_type = jax.random.normal(k5, (V_BOND_TYPE, D), dtype=jnp.float32)
    W_is_in_ring = jax.random.normal(k6, (V_IS_IN_RING, D), dtype=jnp.float32)
    return {
        "bond_dir": bond_dir,
        "bond_type": bond_type,
        "is_in_ring": is_in_ring,
        "W_bond_dir": W_bond_dir,
        "W_bond_type": W_bond_type,
        "W_is_in_ring": W_is_in_ring,
    }

def reference(bond_dir, bond_type, is_in_ring, W_bond_dir, W_bond_type, W_is_in_ring):
    # out_embed = sum_i embed_i(edge_features[name_i])
    out = jnp.take(W_bond_dir, bond_dir, axis=0)
    out = out + jnp.take(W_bond_type, bond_type, axis=0)
    out = out + jnp.take(W_is_in_ring, is_in_ring, axis=0)
    return out

if __name__ == "__main__":
    import jax
    _d = setup_inputs()
    print(jax.jit(kernel)(*tuple(_d.values())))

</pallas_src>

<mosaic_0001>
#map = affine_map<(d0, d1) -> (0)>
#map1 = affine_map<(d0, d1) -> (0, 0)>
module attributes {stable_mosaic.version = 14 : i64} {
  func.func @k(%arg0: i32, %arg1: i32, %arg2: memref<800000xi32, #tpu.memory_space<hbm>>, %arg3: memref<800000xi32, #tpu.memory_space<hbm>>, %arg4: memref<800000xi32, #tpu.memory_space<hbm>>, %arg5: memref<552x64xf32, #tpu.memory_space<hbm>>, %arg6: memref<800000x64xf32, #tpu.memory_space<hbm>>, %arg7: memref<128xi32, #tpu.memory_space<vmem>>, %arg8: memref<128xi32, #tpu.memory_space<vmem>>, %arg9: memref<128xi32, #tpu.memory_space<vmem>>, %arg10: memref<128xi32, #tpu.memory_space<vmem>>, %arg11: memref<128x64xf32, #tpu.memory_space<vmem>>, %arg12: memref<!tpu.dma_semaphore, #tpu.memory_space<semaphore_mem>>, %arg13: memref<!tpu.dma_semaphore, #tpu.memory_space<semaphore_mem>>, %arg14: memref<!tpu.dma_semaphore, #tpu.memory_space<semaphore_mem>>, %arg15: memref<128xi32, #tpu.memory_space<vmem>>, %arg16: memref<128xi32, #tpu.memory_space<vmem>>, %arg17: memref<128xi32, #tpu.memory_space<vmem>>, %arg18: memref<128xi32, #tpu.memory_space<vmem>>, %arg19: memref<128x64xf32, #tpu.memory_space<vmem>>, %arg20: memref<!tpu.dma_semaphore, #tpu.memory_space<semaphore_mem>>, %arg21: memref<!tpu.dma_semaphore, #tpu.memory_space<semaphore_mem>>, %arg22: memref<!tpu.dma_semaphore, #tpu.memory_space<semaphore_mem>>, %arg23: memref<128xi32, #tpu.memory_space<vmem>>, %arg24: memref<128xi32, #tpu.memory_space<vmem>>, %arg25: memref<128xi32, #tpu.memory_space<vmem>>, %arg26: memref<128xi32, #tpu.memory_space<vmem>>, %arg27: memref<128x64xf32, #tpu.memory_space<vmem>>, %arg28: memref<!tpu.dma_semaphore, #tpu.memory_space<semaphore_mem>>, %arg29: memref<!tpu.dma_semaphore, #tpu.memory_space<semaphore_mem>>, %arg30: memref<!tpu.dma_semaphore, #tpu.memory_space<semaphore_mem>>, %arg31: memref<128xi32, #tpu.memory_space<vmem>>, %arg32: memref<128xi32, #tpu.memory_space<vmem>>, %arg33: memref<128xi32, #tpu.memory_space<vmem>>, %arg34: memref<128xi32, #tpu.memory_space<vmem>>, %arg35: memref<128x64xf32, #tpu.memory_space<vmem>>, %arg36: memref<!tpu.dma_semaphore, #tpu.memory_space<semaphore_mem>>, %arg37: memref<!tpu.dma_semaphore, #tpu.memory_space<semaphore_mem>>, %arg38: memref<!tpu.dma_semaphore, #tpu.memory_space<semaphore_mem>>) attributes {dimension_semantics = [#tpu.dimension_semantics<core_parallel>, #tpu.dimension_semantics<subcore_parallel>], iteration_bounds = array<i64: 2, 16>, scalar_prefetch = 0 : i64, scratch_operands = 32 : i64, tpu.core_type = #tpu.core_type<sc_vector_subcore>, window_params = [{transform_indices = #map}, {transform_indices = #map}, {transform_indices = #map}, {transform_indices = #map1}, {transform_indices = #map1}]} {
    %mul3A = arith.constant 2 : i32
    %mul3A_0 = arith.muli %arg1, %mul3A : i32
    %add3A = arith.addi %mul3A_0, %arg0 : i32
    %add3A_1 = arith.constant 0 : i32
    %add3A_2 = arith.addi %add3A_1, %add3A : i32
    %min3A = arith.constant 6249 : i32
    %min3A_3 = arith.minsi %add3A_2, %min3A : i32
    %mul3A_4 = arith.constant 128 : i32
    %mul3A_5 = arith.muli %min3A_3, %mul3A_4 : i32
    %dma_start3A = tpu.memref_slice %arg2[%mul3A_5] : memref<800000xi32, #tpu.memory_space<hbm>> -> memref<128xi32, #tpu.memory_space<hbm>>
    %dma_start3A_6 = tpu.memref_slice %arg2[%mul3A_5] : memref<800000xi32, #tpu.memory_space<hbm>> -> memref<128xi32, #tpu.memory_space<hbm>>
    tpu.enqueue_dma source(%dma_start3A_6 : memref<128xi32, #tpu.memory_space<hbm>>) target(%arg7 : memref<128xi32, #tpu.memory_space<vmem>>) target_semaphore(%arg12 : memref<!tpu.dma_semaphore, #tpu.memory_space<semaphore_mem>>)
    %dma_start3A_7 = tpu.memref_slice %arg3[%mul3A_5] : memref<800000xi32, #tpu.memory_space<hbm>> -> memref<128xi32, #tpu.memory_space<hbm>>
    %dma_start3A_8 = tpu.memref_slice %arg3[%mul3A_5] : memref<800000xi32, #tpu.memory_space<hbm>> -> memref<128xi32, #tpu.memory_space<hbm>>
    tpu.enqueue_dma source(%dma_start3A_8 : memref<128xi32, #tpu.memory_space<hbm>>) target(%arg8 : memref<128xi32, #tpu.memory_space<vmem>>) target_semaphore(%arg12 : memref<!tpu.dma_semaphore, #tpu.memory_space<semaphore_mem>>)
    %dma_start3A_9 = tpu.memref_slice %arg4[%mul3A_5] : memref<800000xi32, #tpu.memory_space<hbm>> -> memref<128xi32, #tpu.memory_space<hbm>>
    %dma_start3A_10 = tpu.memref_slice %arg4[%mul3A_5] : memref<800000xi32, #tpu.memory_space<hbm>> -> memref<128xi32, #tpu.memory_space<hbm>>
    tpu.enqueue_dma source(%dma_start3A_10 : memref<128xi32, #tpu.memory_space<hbm>>) target(%arg9 : memref<128xi32, #tpu.memory_space<vmem>>) target_semaphore(%arg12 : memref<!tpu.dma_semaphore, #tpu.memory_space<semaphore_mem>>)
    %add3A_11 = arith.constant 32 : i32
    %add3A_12 = arith.addi %add3A_11, %add3A : i32
    %min3A_13 = arith.constant 6249 : i32
    %min3A_14 = arith.minsi %add3A_12, %min3A_13 : i32
    %mul3A_15 = arith.constant 128 : i32
    %mul3A_16 = arith.muli %min3A_14, %mul3A_15 : i32
    %dma_start3A_17 = tpu.memref_slice %arg2[%mul3A_16] : memref<800000xi32, #tpu.memory_space<hbm>> -> memref<128xi32, #tpu.memory_space<hbm>>
    %dma_start3A_18 = tpu.memref_slice %arg2[%mul3A_16] : memref<800000xi32, #tpu.memory_space<hbm>> -> memref<128xi32, #tpu.memory_space<hbm>>
    tpu.enqueue_dma source(%dma_start3A_18 : memref<128xi32, #tpu.memory_space<hbm>>) target(%arg15 : memref<128xi32, #tpu.memory_space<vmem>>) target_semaphore(%arg20 : memref<!tpu.dma_semaphore, #tpu.memory_space<semaphore_mem>>)
    %dma_start3A_19 = tpu.memref_slice %arg3[%mul3A_16] : memref<800000xi32, #tpu.memory_space<hbm>> -> memref<128xi32, #tpu.memory_space<hbm>>
    %dma_start3A_20 = tpu.memref_slice %arg3[%mul3A_16] : memref<800000xi32, #tpu.memory_space<hbm>> -> memref<128xi32, #tpu.memory_space<hbm>>
    tpu.enqueue_dma source(%dma_start3A_20 : memref<128xi32, #tpu.memory_space<hbm>>) target(%arg16 : memref<128xi32, #tpu.memory_space<vmem>>) target_semaphore(%arg20 : memref<!tpu.dma_semaphore, #tpu.memory_space<semaphore_mem>>)
    %dma_start3A_21 = tpu.memref_slice %arg4[%mul3A_16] : memref<800000xi32, #tpu.memory_space<hbm>> -> memref<128xi32, #tpu.memory_space<hbm>>
    %dma_start3A_22 = tpu.memref_slice %arg4[%mul3A_16] : memref<800000xi32, #tpu.memory_space<hbm>> -> memref<128xi32, #tpu.memory_space<hbm>>
    tpu.enqueue_dma source(%dma_start3A_22 : memref<128xi32, #tpu.memory_space<hbm>>) target(%arg17 : memref<128xi32, #tpu.memory_space<vmem>>) target_semaphore(%arg20 : memref<!tpu.dma_semaphore, #tpu.memory_space<semaphore_mem>>)
    %add3A_23 = arith.constant 64 : i32
    %add3A_24 = arith.addi %add3A_23, %add3A : i32
    %min3A_25 = arith.constant 6249 : i32
    %min3A_26 = arith.minsi %add3A_24, %min3A_25 : i32
    %mul3A_27 = arith.constant 128 : i32
    %mul3A_28 = arith.muli %min3A_26, %mul3A_27 : i32
    %dma_start3A_29 = tpu.memref_slice %arg2[%mul3A_28] : memref<800000xi32, #tpu.memory_space<hbm>> -> memref<128xi32, #tpu.memory_space<hbm>>
    %dma_start3A_30 = tpu.memref_slice %arg2[%mul3A_28] : memref<800000xi32, #tpu.memory_space<hbm>> -> memref<128xi32, #tpu.memory_space<hbm>>
    tpu.enqueue_dma source(%dma_start3A_30 : memref<128xi32, #tpu.memory_space<hbm>>) target(%arg23 : memref<128xi32, #tpu.memory_space<vmem>>) target_semaphore(%arg28 : memref<!tpu.dma_semaphore, #tpu.memory_space<semaphore_mem>>)
    %dma_start3A_31 = tpu.memref_slice %arg3[%mul3A_28] : memref<800000xi32, #tpu.memory_space<hbm>> -> memref<128xi32, #tpu.memory_space<hbm>>
    %dma_start3A_32 = tpu.memref_slice %arg3[%mul3A_28] : memref<800000xi32, #tpu.memory_space<hbm>> -> memref<128xi32, #tpu.memory_space<hbm>>
    tpu.enqueue_dma source(%dma_start3A_32 : memref<128xi32, #tpu.memory_space<hbm>>) target(%arg24 : memref<128xi32, #tpu.memory_space<vmem>>) target_semaphore(%arg28 : memref<!tpu.dma_semaphore, #tpu.memory_space<semaphore_mem>>)
    %dma_start3A_33 = tpu.memref_slice %arg4[%mul3A_28] : memref<800000xi32, #tpu.memory_space<hbm>> -> memref<128xi32, #tpu.memory_space<hbm>>
    %dma_start3A_34 = tpu.memref_slice %arg4[%mul3A_28] : memref<800000xi32, #tpu.memory_space<hbm>> -> memref<128xi32, #tpu.memory_space<hbm>>
    tpu.enqueue_dma source(%dma_start3A_34 : memref<128xi32, #tpu.memory_space<hbm>>) target(%arg25 : memref<128xi32, #tpu.memory_space<vmem>>) target_semaphore(%arg28 : memref<!tpu.dma_semaphore, #tpu.memory_space<semaphore_mem>>)
    %add3A_35 = arith.constant 96 : i32
    %add3A_36 = arith.addi %add3A_35, %add3A : i32
    %min3A_37 = arith.constant 6249 : i32
    %min3A_38 = arith.minsi %add3A_36, %min3A_37 : i32
    %mul3A_39 = arith.constant 128 : i32
    %mul3A_40 = arith.muli %min3A_38, %mul3A_39 : i32
    %dma_start3A_41 = tpu.memref_slice %arg2[%mul3A_40] : memref<800000xi32, #tpu.memory_space<hbm>> -> memref<128xi32, #tpu.memory_space<hbm>>
    %dma_start3A_42 = tpu.memref_slice %arg2[%mul3A_40] : memref<800000xi32, #tpu.memory_space<hbm>> -> memref<128xi32, #tpu.memory_space<hbm>>
    tpu.enqueue_dma source(%dma_start3A_42 : memref<128xi32, #tpu.memory_space<hbm>>) target(%arg31 : memref<128xi32, #tpu.memory_space<vmem>>) target_semaphore(%arg36 : memref<!tpu.dma_semaphore, #tpu.memory_space<semaphore_mem>>)
    %dma_start3A_43 = tpu.memref_slice %arg3[%mul3A_40] : memref<800000xi32, #tpu.memory_space<hbm>> -> memref<128xi32, #tpu.memory_space<hbm>>
    %dma_start3A_44 = tpu.memref_slice %arg3[%mul3A_40] : memref<800000xi32, #tpu.memory_space<hbm>> -> memref<128xi32, #tpu.memory_space<hbm>>
    tpu.enqueue_dma source(%dma_start3A_44 : memref<128xi32, #tpu.memory_space<hbm>>) target(%arg32 : memref<128xi32, #tpu.memory_space<vmem>>) target_semaphore(%arg36 : memref<!tpu.dma_semaphore, #tpu.memory_space<semaphore_mem>>)
    %dma_start3A_45 = tpu.memref_slice %arg4[%mul3A_40] : memref<800000xi32, #tpu.memory_space<hbm>> -> memref<128xi32, #tpu.memory_space<hbm>>
    %dma_start3A_46 = tpu.memref_slice %arg4[%mul3A_40] : memref<800000xi32, #tpu.memory_space<hbm>> -> memref<128xi32, #tpu.memory_space<hbm>>
    tpu.enqueue_dma source(%dma_start3A_46 : memref<128xi32, #tpu.memory_space<hbm>>) target(%arg33 : memref<128xi32, #tpu.memory_space<vmem>>) target_semaphore(%arg36 : memref<!tpu.dma_semaphore, #tpu.memory_space<semaphore_mem>>)
    %scan3A = arith.constant 0 : i32
    %scan3A_47 = arith.constant 0 : i32
    %scan3A_48 = arith.constant 49 : i32
    %scan3A_49 = arith.addi %scan3A_47, %scan3A_48 : i32
    %scan3A_50 = arith.constant 1 : i32
    scf.for %scan3A_75 = %scan3A_47 to %scan3A_49 step %scan3A_50  : i32 {
      %dma_wait3A_76 = arith.constant 0 : i32
      %dma_wait3A_77 = tpu.memref_slice %arg2[%dma_wait3A_76] : memref<800000xi32, #tpu.memory_space<hbm>> -> memref<128xi32, #tpu.memory_space<hbm>>
      %dma_wait3A_78 = arith.constant 0 : i32
      %dma_wait3A_79 = tpu.memref_slice %arg2[%dma_wait3A_78] : memref<800000xi32, #tpu.memory_space<hbm>> -> memref<128xi32, #tpu.memory_space<hbm>>
      tpu.wait_dma2 semaphore(%arg12 : memref<!tpu.dma_semaphore, #tpu.memory_space<semaphore_mem>>) src(%dma_wait3A_79 : memref<128xi32, #tpu.memory_space<hbm>>) dst(%arg7 : memref<128xi32, #tpu.memory_space<vmem>>)
      %dma_wait3A_80 = arith.constant 0 : i32
      %dma_wait3A_81 = tpu.memref_slice %arg3[%dma_wait3A_80] : memref<800000xi32, #tpu.memory_space<hbm>> -> memref<128xi32, #tpu.memory_space<hbm>>
      %dma_wait3A_82 = arith.constant 0 : i32
      %dma_wait3A_83 = tpu.memref_slice %arg3[%dma_wait3A_82] : memref<800000xi32, #tpu.memory_space<hbm>> -> memref<128xi32, #tpu.memory_space<hbm>>
      tpu.wait_dma2 semaphore(%arg12 : memref<!tpu.dma_semaphore, #tpu.memory_space<semaphore_mem>>) src(%dma_wait3A_83 : memref<128xi32, #tpu.memory_space<hbm>>) dst(%arg8 : memref<128xi32, #tpu.memory_space<vmem>>)
      %dma_wait3A_84 = arith.constant 0 : i32
      %dma_wait3A_85 = tpu.memref_slice %arg4[%dma_wait3A_84] : memref<800000xi32, #tpu.memory_space<hbm>> -> memref<128xi32, #tpu.memory_space<hbm>>
      %dma_wait3A_86 = arith.constant 0 : i32
      %dma_wait3A_87 = tpu.memref_slice %arg4[%dma_wait3A_86] : memref<800000xi32, #tpu.memory_space<hbm>> -> memref<128xi32, #tpu.memory_space<hbm>>
      tpu.wait_dma2 semaphore(%arg12 : memref<!tpu.dma_semaphore, #tpu.memory_space<semaphore_mem>>) src(%dma_wait3A_87 : memref<128xi32, #tpu.memory_space<hbm>>) dst(%arg9 : memref<128xi32, #tpu.memory_space<vmem>>)
      %get3A = arith.constant 0 : index
      %get3A_88 = tpu.vector_load %arg7[%get3A] {strides = array<i32>} : memref<128xi32, #tpu.memory_space<vmem>>, vector<16xi32>,
      %get3A_89 = vector.shape_cast %get3A_88 : vector<16xi32> to vector<16xi32>
      %mul3A_90 = arith.constant 69 : i32
      %mul3A_91 = vector.broadcast %mul3A_90 : i32 to vector<16xi32>
      %mul3A_92 = arith.muli %get3A_89, %mul3A_91 : vector<16xi32>
      %get3A_93 = arith.constant 0 : index
      %get3A_94 = tpu.vector_load %arg8[%get3A_93] {strides = array<i32>} : memref<128xi32, #tpu.memory_space<vmem>>, vector<16xi32>,
      %get3A_95 = vector.shape_cast %get3A_94 : vector<16xi32> to vector<16xi32>
      %mul3A_96 = arith.constant 3 : i32
      %mul3A_97 = vector.broadcast %mul3A_96 : i32 to vector<16xi32>
      %mul3A_98 = arith.muli %get3A_95, %mul3A_97 : vector<16xi32>
      %add3A_99 = arith.addi %mul3A_92, %mul3A_98 : vector<16xi32>
      %get3A_100 = arith.constant 0 : index
      %get3A_101 = tpu.vector_load %arg9[%get3A_100] {strides = array<i32>} : memref<128xi32, #tpu.memory_space<vmem>>, vector<16xi32>,
      %get3A_102 = vector.shape_cast %get3A_101 : vector<16xi32> to vector<16xi32>
      %add3A_103 = arith.addi %add3A_99, %get3A_102 : vector<16xi32>
      %swap3A = arith.constant 0 : index
      %swap3A_104 = tpu.vector_load %arg10[%swap3A] {strides = array<i32>} : memref<128xi32, #tpu.memory_space<vmem>>, vector<16xi32>,
      %swap3A_105 = vector.shape_cast %swap3A_104 : vector<16xi32> to vector<16xi32>
      %swap3A_106 = vector.shape_cast %add3A_103 : vector<16xi32> to vector<16xi32>
      tpu.vector_store %arg10[%swap3A], %swap3A_106 {strides = array<i32>} : memref<128xi32, #tpu.memory_space<vmem>>, vector<16xi32>,
      %get3A_107 = arith.constant 16 : index
      %get3A_108 = tpu.vector_load %arg7[%get3A_107] {strides = array<i32>} : memref<128xi32, #tpu.memory_space<vmem>>, vector<16xi32>,
      %get3A_109 = vector.shape_cast %get3A_108 : vector<16xi32> to vector<16xi32>
      %mul3A_110 = arith.constant 69 : i32
      %mul3A_111 = vector.broadcast %mul3A_110 : i32 to vector<16xi32>
      %mul3A_112 = arith.muli %get3A_109, %mul3A_111 : vector<16xi32>
      %get3A_113 = arith.constant 16 : index
      %get3A_114 = tpu.vector_load %arg8[%get3A_113] {strides = array<i32>} : memref<128xi32, #tpu.memory_space<vmem>>, vector<16xi32>,
      %get3A_115 = vector.shape_cast %get3A_114 : vector<16xi32> to vector<16xi32>
      %mul3A_116 = arith.constant 3 : i32
      %mul3A_117 = vector.broadcast %mul3A_116 : i32 to vector<16xi32>
      %mul3A_118 = arith.muli %get3A_115, %mul3A_117 : vector<16xi32>
      %add3A_119 = arith.addi %mul3A_112, %mul3A_118 : vector<16xi32>
      %get3A_120 = arith.constant 16 : index
      %get3A_121 = tpu.vector_load %arg9[%get3A_120] {strides = array<i32>} : memref<128xi32, #tpu.memory_space<vmem>>, vector<16xi32>,
      %get3A_122 = vector.shape_cast %get3A_121 : vector<16xi32> to vector<16xi32>
      %add3A_123 = arith.addi %add3A_119, %get3A_122 : vector<16xi32>
      %swap3A_124 = arith.constant 16 : index
      %swap3A_125 = tpu.vector_load %arg10[%swap3A_124] {strides = array<i32>} : memref<128xi32, #tpu.memory_space<vmem>>, vector<16xi32>,
      %swap3A_126 = vector.shape_cast %swap3A_125 : vector<16xi32> to vector<16xi32>
      %swap3A_127 = vector.shape_cast %add3A_123 : vector<16xi32> to vector<16xi32>
      tpu.vector_store %arg10[%swap3A_124], %swap3A_127 {strides = array<i32>} : memref<128xi32, #tpu.memory_space<vmem>>, vector<16xi32>,
      %get3A_128 = arith.constant 32 : index
      %get3A_129 = tpu.vector_load %arg7[%get3A_128] {strides = array<i32>} : memref<128xi32, #tpu.memory_space<vmem>>, vector<16xi32>,
      %get3A_130 = vector.shape_cast %get3A_129 : vector<16xi32> to vector<16xi32>
      %mul3A_131 = arith.constant 69 : i32
      %mul3A_132 = vector.broadcast %mul3A_131 : i32 to vector<16xi32>
      %mul3A_133 = arith.muli %get3A_130, %mul3A_132 : vector<16xi32>
      %get3A_134 = arith.constant 32 : index
      %get3A_135 = tpu.vector_load %arg8[%get3A_134] {strides = array<i32>} : memref<128xi32, #tpu.memory_space<vmem>>, vector<16xi32>,
      %get3A_136 = vector.shape_cast %get3A_135 : vector<16xi32> to vector<16xi32>
      %mul3A_137 = arith.constant 3 : i32
      %mul3A_138 = vector.broadcast %mul3A_137 : i32 to vector<16xi32>
      %mul3A_139 = arith.muli %get3A_136, %mul3A_138 : vector<16xi32>
      %add3A_140 = arith.addi %mul3A_133, %mul3A_139 : vector<16xi32>
      %get3A_141 = arith.constant 32 : index
      %get3A_142 = tpu.vector_load %arg9[%get3A_141] {strides = array<i32>} : memref<128xi32, #tpu.memory_space<vmem>>, vector<16xi32>,
      %get3A_143 = vector.shape_cast %get3A_142 : vector<16xi32> to vector<16xi32>
      %add3A_144 = arith.addi %add3A_140, %get3A_143 : vector<16xi32>
      %swap3A_145 = arith.constant 32 : index
      %swap3A_146 = tpu.vector_load %arg10[%swap3A_145] {strides = array<i32>} : memref<128xi32, #tpu.memory_space<vmem>>, vector<16xi32>,
      %swap3A_147 = vector.shape_cast %swap3A_146 : vector<16xi32> to vector<16xi32>
      %swap3A_148 = vector.shape_cast %add3A_144 : vector<16xi32> to vector<16xi32>
      tpu.vector_store %arg10[%swap3A_145], %swap3A_148 {strides = array<i32>} : memref<128xi32, #tpu.memory_space<vmem>>, vector<16xi32>,
      %get3A_149 = arith.constant 48 : index
      %get3A_150 = tpu.vector_load %arg7[%get3A_149] {strides = array<i32>} : memref<128xi32, #tpu.memory_space<vmem>>, vector<16xi32>,
      %get3A_151 = vector.shape_cast %get3A_150 : vector<16xi32> to vector<16xi32>
      %mul3A_152 = arith.constant 69 : i32
      %mul3A_153 = vector.broadcast %mul3A_152 : i32 to vector<16xi32>
      %mul3A_154 = arith.muli %get3A_151, %mul3A_153 : vector<16xi32>
      %get3A_155 = arith.constant 48 : index
      %get3A_156 = tpu.vector_load %arg8[%get3A_155] {strides = array<i32>} : memref<128xi32, #tpu.memory_space<vmem>>, vector<16xi32>,
      %get3A_157 = vector.shape_cast %get3A_156 : vector<16xi32> to vector<16xi32>
      %mul3A_158 = arith.constant 3 : i32
      %mul3A_159 = vector.broadcast %mul3A_158 : i32 to vector<16xi32>
      %mul3A_160 = arith.muli %get3A_157, %mul3A_159 : vector<16xi32>
      %add3A_161 = arith.addi %mul3A_154, %mul3A_160 : vector<16xi32>
      %get3A_162 = arith.constant 48 : index
      %get3A_163 = tpu.vector_load %arg9[%get3A_162] {strides = array<i32>} : memref<128xi32, #tpu.memory_space<vmem>>, vector<16xi32>,
      %get3A_164 = vector.shape_cast %get3A_163 : vector<16xi32> to vector<16xi32>
      %add3A_165 = arith.addi %add3A_161, %get3A_164 : vector<16xi32>
      %swap3A_166 = arith.constant 48 : index
      %swap3A_167 = tpu.vector_load %arg10[%swap3A_166] {strides = array<i32>} : memref<128xi32, #tpu.memory_space<vmem>>, vector<16xi32>,
      %swap3A_168 = vector.shape_cast %swap3A_167 : vector<16xi32> to vector<16xi32>
      %swap3A_169 = vector.shape_cast %add3A_165 : vector<16xi32> to vector<16xi32>
      tpu.vector_store %arg10[%swap3A_166], %swap3A_169 {strides = array<i32>} : memref<128xi32, #tpu.memory_space<vmem>>, vector<16xi32>,
      %get3A_170 = arith.constant 64 : index
      %get3A_171 = tpu.vector_load %arg7[%get3A_170] {strides = array<i32>} : memref<128xi32, #tpu.memory_space<vmem>>, vector<16xi32>,
      %get3A_172 = vector.shape_cast %get3A_171 : vector<16xi32> to vector<16xi32>
      %mul3A_173 = arith.constant 69 : i32
      %mul3A_174 = vector.broadcast %mul3A_173 : i32 to vector<16xi32>
      %mul3A_175 = arith.muli %get3A_172, %mul3A_174 : vector<16xi32>
      %get3A_176 = arith.constant 64 : index
      %get3A_177 = tpu.vector_load %arg8[%get3A_176] {strides = array<i32>} : memref<128xi32, #tpu.memory_space<vmem>>, vector<16xi32>,
      %get3A_178 = vector.shape_cast %get3A_177 : vector<16xi32> to vector<16xi32>
      %mul3A_179 = arith.constant 3 : i32
      %mul3A_180 = vector.broadcast %mul3A_179 : i32 to vector<16xi32>
      %mul3A_181 = arith.muli %get3A_178, %mul3A_180 : vector<16xi32>
      %add3A_182 = arith.addi %mul3A_175, %mul3A_181 : vector<16xi32>
      %get3A_183 = arith.constant 64 : index
      %get3A_184 = tpu.vector_load %arg9[%get3A_183] {strides = array<i32>} : memref<128xi32, #tpu.memory_space<vmem>>, vector<16xi32>,
      %get3A_185 = vector.shape_cast %get3A_184 : vector<16xi32> to vector<16xi32>
      %add3A_186 = arith.addi %add3A_182, %get3A_185 : vector<16xi32>
      %swap3A_187 = arith.constant 64 : index
      %swap3A_188 = tpu.vector_load %arg10[%swap3A_187] {strides = array<i32>} : memref<128xi32, #tpu.memory_space<vmem>>, vector<16xi32>,
      %swap3A_189 = vector.shape_cast %swap3A_188 : vector<16xi32> to vector<16xi32>
      %swap3A_190 = vector.shape_cast %add3A_186 : vector<16xi32> to vector<16xi32>
      tpu.vector_store %arg10[%swap3A_187], %swap3A_190 {strides = array<i32>} : memref<128xi32, #tpu.memory_space<vmem>>, vector<16xi32>,
      %get3A_191 = arith.constant 80 : index
      %get3A_192 = tpu.vector_load %arg7[%get3A_191] {strides = array<i32>} : memref<128xi32, #tpu.memory_space<vmem>>, vector<16xi32>,
      %get3A_193 = vector.shape_cast %get3A_192 : vector<16xi32> to vector<16xi32>
      %mul3A_194 = arith.constant 69 : i32
      %mul3A_195 = vector.broadcast %mul3A_194 : i32 to vector<16xi32>
      %mul3A_196 = arith.muli %get3A_193, %mul3A_195 : vector<16xi32>
      %get3A_197 = arith.constant 80 : index
      %get3A_198 = tpu.vector_load %arg8[%get3A_197] {strides = array<i32>} : memref<128xi32, #tpu.memory_space<vmem>>, vector<16xi32>,
      %get3A_199 = vector.shape_cast %get3A_198 : vector<16xi32> to vector<16xi32>
      %mul3A_200 = arith.constant 3 : i32
      %mul3A_201 = vector.broadcast %mul3A_200 : i32 to vector<16xi32>
      %mul3A_202 = arith.muli %get3A_199, %mul3A_201 : vector<16xi32>
      %add3A_203 = arith.addi %mul3A_196, %mul3A_202 : vector<16xi32>
      %get3A_204 = arith.constant 80 : index
      %get3A_205 = tpu.vector_load %arg9[%get3A_204] {strides = array<i32>} : memref<128xi32, #tpu.memory_space<vmem>>, vector<16xi32>,
      %get3A_206 = vector.shape_cast %get3A_205 : vector<16xi32> to vector<16xi32>
      %add3A_207 = arith.addi %add3A_203, %get3A_206 : vector<16xi32>
      %swap3A_208 = arith.constant 80 : index
      %swap3A_209 = tpu.vector_load %arg10[%swap3A_208] {strides = array<i32>} : memref<128xi32, #tpu.memory_space<vmem>>, vector<16xi32>,
      %swap3A_210 = vector.shape_cast %swap3A_209 : vector<16xi32> to vector<16xi32>
      %swap3A_211 = vector.shape_cast %add3A_207 : vector<16xi32> to vector<16xi32>
      tpu.vector_store %arg10[%swap3A_208], %swap3A_211 {strides = array<i32>} : memref<128xi32, #tpu.memory_space<vmem>>, vector<16xi32>,
      %get3A_212 = arith.constant 96 : index
      %get3A_213 = tpu.vector_load %arg7[%get3A_212] {strides = array<i32>} : memref<128xi32, #tpu.memory_space<vmem>>, vector<16xi32>,
      %get3A_214 = vector.shape_cast %get3A_213 : vector<16xi32> to vector<16xi32>
      %mul3A_215 = arith.constant 69 : i32
      %mul3A_216 = vector.broadcast %mul3A_215 : i32 to vector<16xi32>
      %mul3A_217 = arith.muli %get3A_214, %mul3A_216 : vector<16xi32>
      %get3A_218 = arith.constant 96 : index
      %get3A_219 = tpu.vector_load %arg8[%get3A_218] {strides = array<i32>} : memref<128xi32, #tpu.memory_space<vmem>>, vector<16xi32>,
      %get3A_220 = vector.shape_cast %get3A_219 : vector<16xi32> to vector<16xi32>
      %mul3A_221 = arith.constant 3 : i32
      %mul3A_222 = vector.broadcast %mul3A_221 : i32 to vector<16xi32>
      %mul3A_223 = arith.muli %get3A_220, %mul3A_222 : vector<16xi32>
      %add3A_224 = arith.addi %mul3A_217, %mul3A_223 : vector<16xi32>
      %get3A_225 = arith.constant 96 : index
      %get3A_226 = tpu.vector_load %arg9[%get3A_225] {strides = array<i32>} : memref<128xi32, #tpu.memory_space<vmem>>, vector<16xi32>,
      %get3A_227 = vector.shape_cast %get3A_226 : vector<16xi32> to vector<16xi32>
      %add3A_228 = arith.addi %add3A_224, %get3A_227 : vector<16xi32>
      %swap3A_229 = arith.constant 96 : index
      %swap3A_230 = tpu.vector_load %arg10[%swap3A_229] {strides = array<i32>} : memref<128xi32, #tpu.memory_space<vmem>>, vector<16xi32>,
      %swap3A_231 = vector.shape_cast %swap3A_230 : vector<16xi32> to vector<16xi32>
      %swap3A_232 = vector.shape_cast %add3A_228 : vector<16xi32> to vector<16xi32>
      tpu.vector_store %arg10[%swap3A_229], %swap3A_232 {strides = array<i32>} : memref<128xi32, #tpu.memory_space<vmem>>, vector<16xi32>,
      %get3A_233 = arith.constant 112 : index
      %get3A_234 = tpu.vector_load %arg7[%get3A_233] {strides = array<i32>} : memref<128xi32, #tpu.memory_space<vmem>>, vector<16xi32>,
      %get3A_235 = vector.shape_cast %get3A_234 : vector<16xi32> to vector<16xi32>
      %mul3A_236 = arith.constant 69 : i32
      %mul3A_237 = vector.broadcast %mul3A_236 : i32 to vector<16xi32>
      %mul3A_238 = arith.muli %get3A_235, %mul3A_237 : vector<16xi32>
      %get3A_239 = arith.constant 112 : index
      %get3A_240 = tpu.vector_load %arg8[%get3A_239] {strides = array<i32>} : memref<128xi32, #tpu.memory_space<vmem>>, vector<16xi32>,
      %get3A_241 = vector.shape_cast %get3A_240 : vector<16xi32> to vector<16xi32>
      %mul3A_242 = arith.constant 3 : i32
      %mul3A_243 = vector.broadcast %mul3A_242 : i32 to vector<16xi32>
      %mul3A_244 = arith.muli %get3A_241, %mul3A_243 : vector<16xi32>
      %add3A_245 = arith.addi %mul3A_238, %mul3A_244 : vector<16xi32>
      %get3A_246 = arith.constant 112 : index
      %get3A_247 = tpu.vector_load %arg9[%get3A_246] {strides = array<i32>} : memref<128xi32, #tpu.memory_space<vmem>>, vector<16xi32>,
      %get3A_248 = vector.shape_cast %get3A_247 : vector<16xi32> to vector<16xi32>
      %add3A_249 = arith.addi %add3A_245, %get3A_248 : vector<16xi32>
      %swap3A_250 = arith.constant 112 : index
      %swap3A_251 = tpu.vector_load %arg10[%swap3A_250] {strides = array<i32>} : memref<128xi32, #tpu.memory_space<vmem>>, vector<16xi32>,
      %swap3A_252 = vector.shape_cast %swap3A_251 : vector<16xi32> to vector<16xi32>
      %swap3A_253 = vector.shape_cast %add3A_249 : vector<16xi32> to vector<16xi32>
      tpu.vector_store %arg10[%swap3A_250], %swap3A_253 {strides = array<i32>} : memref<128xi32, #tpu.memory_space<vmem>>, vector<16xi32>,
      %gt3A = arith.constant 0 : i32
      %gt3A_254 = arith.cmpi sgt, %scan3A_75, %gt3A : i32
      %convert_element_type3A = arith.extui %gt3A_254 : i1 to i32
      %cond3A = arith.constant 0 : i32
      %cond3A_255 = arith.cmpi ne, %convert_element_type3A, %cond3A : i32
      scf.if %cond3A_255 {
        %dma_wait3A_913 = arith.constant 0 : i32
        %dma_wait3A_914 = arith.constant 0 : i32
        %dma_wait3A_915 = tpu.memref_slice %arg6[%dma_wait3A_913, %dma_wait3A_914] : memref<800000x64xf32, #tpu.memory_space<hbm>> -> memref<128x64xf32, #tpu.memory_space<hbm>>
        %dma_wait3A_916 = arith.constant 0 : i32
        %dma_wait3A_917 = arith.constant 0 : i32
        %dma_wait3A_918 = tpu.memref_slice %arg6[%dma_wait3A_916, %dma_wait3A_917] : memref<800000x64xf32, #tpu.memory_space<hbm>> -> memref<128x64xf32, #tpu.memory_space<hbm>>
        tpu.wait_dma2 semaphore(%arg14 : memref<!tpu.dma_semaphore, #tpu.memory_space<semaphore_mem>>) src(%arg11 : memref<128x64xf32, #tpu.memory_space<vmem>>) dst(%dma_wait3A_918 : memref<128x64xf32, #tpu.memory_space<hbm>>)
      } else {
      }
      %dma_start3A_256 = arith.constant 0 : i32
      %dma_start3A_257 = arith.constant 0 : i32
      %dma_start3A_258 = tpu.memref_slice %arg5[%dma_start3A_256, %dma_start3A_257] : memref<552x64xf32, #tpu.memory_space<hbm>> -> memref<552x64xf32, #tpu.memory_space<hbm>>
      tpu.enqueue_indirect_dma source(%dma_start3A_258 : memref<552x64xf32, #tpu.memory_space<hbm>>) target(%arg11 : memref<128x64xf32, #tpu.memory_space<vmem>>) offsets(%arg10 : memref<128xi32, #tpu.memory_space<vmem>>) semaphore(%arg13 : memref<!tpu.dma_semaphore, #tpu.memory_space<semaphore_mem>>)
      %dma_wait3A_259 = arith.constant 0 : i32
      %dma_wait3A_260 = tpu.memref_slice %arg2[%dma_wait3A_259] : memref<800000xi32, #tpu.memory_space<hbm>> -> memref<128xi32, #tpu.memory_space<hbm>>
      %dma_wait3A_261 = arith.constant 0 : i32
      %dma_wait3A_262 = tpu.memref_slice %arg2[%dma_wait3A_261] : memref<800000xi32, #tpu.memory_space<hbm>> -> memref<128xi32, #tpu.memory_space<hbm>>
      tpu.wait_dma2 semaphore(%arg20 : memref<!tpu.dma_semaphore, #tpu.memory_space<semaphore_mem>>) src(%dma_wait3A_262 : memref<128xi32, #tpu.memory_space<hbm>>) dst(%arg15 : memref<128xi32, #tpu.memory_space<vmem>>)
      %dma_wait3A_263 = arith.constant 0 : i32
      %dma_wait3A_264 = tpu.memref_slice %arg3[%dma_wait3A_263] : memref<800000xi32, #tpu.memory_space<hbm>> -> memref<128xi32, #tpu.memory_space<hbm>>
      %dma_wait3A_265 = arith.constant 0 : i32
      %dma_wait3A_266 = tpu.memref_slice %arg3[%dma_wait3A_265] : memref<800000xi32, #tpu.memory_space<hbm>> -> memref<128xi32, #tpu.memory_space<hbm>>
      tpu.wait_dma2 semaphore(%arg20 : memref<!tpu.dma_semaphore, #tpu.memory_space<semaphore_mem>>) src(%dma_wait3A_266 : memref<128xi32, #tpu.memory_space<hbm>>) dst(%arg16 : memref<128xi32, #tpu.memory_space<vmem>>)
      %dma_wait3A_267 = arith.constant 0 : i32
      %dma_wait3A_268 = tpu.memref_slice %arg4[%dma_wait3A_267] : memref<800000xi32, #tpu.memory_space<hbm>> -> memref<128xi32, #tpu.memory_space<hbm>>
      %dma_wait3A_269 = arith.constant 0 : i32
      %dma_wait3A_270 = tpu.memref_slice %arg4[%dma_wait3A_269] : memref<800000xi32, #tpu.memory_space<hbm>> -> memref<128xi32, #tpu.memory_space<hbm>>
      tpu.wait_dma2 semaphore(%arg20 : memref<!tpu.dma_semaphore, #tpu.memory_space<semaphore_mem>>) src(%dma_wait3A_270 : memref<128xi32, #tpu.memory_space<hbm>>) dst(%arg17 : memref<128xi32, #tpu.memory_space<vmem>>)
      %get3A_271 = arith.constant 0 : index
      %get3A_272 = tpu.vector_load %arg15[%get3A_271] {strides = array<i32>} : memref<128xi32, #tpu.memory_space<vmem>>, vector<16xi32>,
      %get3A_273 = vector.shape_cast %get3A_272 : vector<16xi32> to vector<16xi32>
      %mul3A_274 = arith.constant 69 : i32
      %mul3A_275 = vector.broadcast %mul3A_274 : i32 to vector<16xi32>
      %mul3A_276 = arith.muli %get3A_273, %mul3A_275 : vector<16xi32>
      %get3A_277 = arith.constant 0 : index
      %get3A_278 = tpu.vector_load %arg16[%get3A_277] {strides = array<i32>} : memref<128xi32, #tpu.memory_space<vmem>>, vector<16xi32>,
      %get3A_279 = vector.shape_cast %get3A_278 : vector<16xi32> to vector<16xi32>
      %mul3A_280 = arith.constant 3 : i32
      %mul3A_281 = vector.broadcast %mul3A_280 : i32 to vector<16xi32>
      %mul3A_282 = arith.muli %get3A_279, %mul3A_281 : vector<16xi32>
      %add3A_283 = arith.addi %mul3A_276, %mul3A_282 : vector<16xi32>
      %get3A_284 = arith.constant 0 : index
      %get3A_285 = tpu.vector_load %arg17[%get3A_284] {strides = array<i32>} : memref<128xi32, #tpu.memory_space<vmem>>, vector<16xi32>,
      %get3A_286 = vector.shape_cast %get3A_285 : vector<16xi32> to vector<16xi32>
      %add3A_287 = arith.addi %add3A_283, %get3A_286 : vector<16xi32>
      %swap3A_288 = arith.constant 0 : index
      %swap3A_289 = tpu.vector_load %arg18[%swap3A_288] {strides = array<i32>} : memref<128xi32, #tpu.memory_space<vmem>>, vector<16xi32>,
      %swap3A_290 = vector.shape_cast %swap3A_289 : vector<16xi32> to vector<16xi32>
      %swap3A_291 = vector.shape_cast %add3A_287 : vector<16xi32> to vector<16xi32>
      tpu.vector_store %arg18[%swap3A_288], %swap3A_291 {strides = array<i32>} : memref<128xi32, #tpu.memory_space<vmem>>, vector<16xi32>,
      %get3A_292 = arith.constant 16 : index
      %get3A_293 = tpu.vector_load %arg15[%get3A_292] {strides = array<i32>} : memref<128xi32, #tpu.memory_space<vmem>>, vector<16xi32>,
      %get3A_294 = vector.shape_cast %get3A_293 : vector<16xi32> to vector<16xi32>
      %mul3A_295 = arith.constant 69 : i32
      %mul3A_296 = vector.broadcast %mul3A_295 : i32 to vector<16xi32>
      %mul3A_297 = arith.muli %get3A_294, %mul3A_296 : vector<16xi32>
      %get3A_298 = arith.constant 16 : index
      %get3A_299 = tpu.vector_load %arg16[%get3A_298] {strides = array<i32>} : memref<128xi32, #tpu.memory_space<vmem>>, vector<16xi32>,
      %get3A_300 = vector.shape_cast %get3A_299 : vector<16xi32> to vector<16xi32>
      %mul3A_301 = arith.constant 3 : i32
      %mul3A_302 = vector.broadcast %mul3A_301 : i32 to vector<16xi32>
      %mul3A_303 = arith.muli %get3A_300, %mul3A_302 : vector<16xi32>
      %add3A_304 = arith.addi %mul3A_297, %mul3A_303 : vector<16xi32>
      %get3A_305 = arith.constant 16 : index
      %get3A_306 = tpu.vector_load %arg17[%get3A_305] {strides = array<i32>} : memref<128xi32, #tpu.memory_space<vmem>>, vector<16xi32>,
      %get3A_307 = vector.shape_cast %get3A_306 : vector<16xi32> to vector<16xi32>
      %add3A_308 = arith.addi %add3A_304, %get3A_307 : vector<16xi32>
      %swap3A_309 = arith.constant 16 : index
      %swap3A_310 = tpu.vector_load %arg18[%swap3A_309] {strides = array<i32>} : memref<128xi32, #tpu.memory_space<vmem>>, vector<16xi32>,
      %swap3A_311 = vector.shape_cast %swap3A_310 : vector<16xi32> to vector<16xi32>
      %swap3A_312 = vector.shape_cast %add3A_308 : vector<16xi32> to vector<16xi32>
      tpu.vector_store %arg18[%swap3A_309], %swap3A_312 {strides = array<i32>} : memref<128xi32, #tpu.memory_space<vmem>>, vector<16xi32>,
      %get3A_313 = arith.constant 32 : index
      %get3A_314 = tpu.vector_load %arg15[%get3A_313] {strides = array<i32>} : memref<128xi32, #tpu.memory_space<vmem>>, vector<16xi32>,
      %get3A_315 = vector.shape_cast %get3A_314 : vector<16xi32> to vector<16xi32>
      %mul3A_316 = arith.constant 69 : i32
      %mul3A_317 = vector.broadcast %mul3A_316 : i32 to vector<16xi32>
      %mul3A_318 = arith.muli %get3A_315, %mul3A_317 : vector<16xi32>
      %get3A_319 = arith.constant 32 : index
      %get3A_320 = tpu.vector_load %arg16[%get3A_319] {strides = array<i32>} : memref<128xi32, #tpu.memory_space<vmem>>, vector<16xi32>,
      %get3A_321 = vector.shape_cast %get3A_320 : vector<16xi32> to vector<16xi32>
      %mul3A_322 = arith.constant 3 : i32
      %mul3A_323 = vector.broadcast %mul3A_322 : i32 to vector<16xi32>
      %mul3A_324 = arith.muli %get3A_321, %mul3A_323 : vector<16xi32>
      %add3A_325 = arith.addi %mul3A_318, %mul3A_324 : vector<16xi32>
      %get3A_326 = arith.constant 32 : index
      %get3A_327 = tpu.vector_load %arg17[%get3A_326] {strides = array<i32>} : memref<128xi32, #tpu.memory_space<vmem>>, vector<16xi32>,
      %get3A_328 = vector.shape_cast %get3A_327 : vector<16xi32> to vector<16xi32>
      %add3A_329 = arith.addi %add3A_325, %get3A_328 : vector<16xi32>
      %swap3A_330 = arith.constant 32 : index
      %swap3A_331 = tpu.vector_load %arg18[%swap3A_330] {strides = array<i32>} : memref<128xi32, #tpu.memory_space<vmem>>, vector<16xi32>,
      %swap3A_332 = vector.shape_cast %swap3A_331 : vector<16xi32> to vector<16xi32>
      %swap3A_333 = vector.shape_cast %add3A_329 : vector<16xi32> to vector<16xi32>
      tpu.vector_store %arg18[%swap3A_330], %swap3A_333 {strides = array<i32>} : memref<128xi32, #tpu.memory_space<vmem>>, vector<16xi32>,
      %get3A_334 = arith.constant 48 : index
      %get3A_335 = tpu.vector_load %arg15[%get3A_334] {strides = array<i32>} : memref<128xi32, #tpu.memory_space<vmem>>, vector<16xi32>,
      %get3A_336 = vector.shape_cast %get3A_335 : vector<16xi32> to vector<16xi32>
      %mul3A_337 = arith.constant 69 : i32
      %mul3A_338 = vector.broadcast %mul3A_337 : i32 to vector<16xi32>
      %mul3A_339 = arith.muli %get3A_336, %mul3A_338 : vector<16xi32>
      %get3A_340 = arith.constant 48 : index
      %get3A_341 = tpu.vector_load %arg16[%get3A_340] {strides = array<i32>} : memref<128xi32, #tpu.memory_space<vmem>>, vector<16xi32>,
      %get3A_342 = vector.shape_cast %get3A_341 : vector<16xi32> to vector<16xi32>
      %mul3A_343 = arith.constant 3 : i32
      %mul3A_344 = vector.broadcast %mul3A_343 : i32 to vector<16xi32>
      %mul3A_345 = arith.muli %get3A_342, %mul3A_344 : vector<16xi32>
      %add3A_346 = arith.addi %mul3A_339, %mul3A_345 : vector<16xi32>
      %get3A_347 = arith.constant 48 : index
      %get3A_348 = tpu.vector_load %arg17[%get3A_347] {strides = array<i32>} : memref<128xi32, #tpu.memory_space<vmem>>, vector<16xi32>,
      %get3A_349 = vector.shape_cast %get3A_348 : vector<16xi32> to vector<16xi32>
      %add3A_350 = arith.addi %add3A_346, %get3A_349 : vector<16xi32>
      %swap3A_351 = arith.constant 48 : index
      %swap3A_352 = tpu.vector_load %arg18[%swap3A_351] {strides = array<i32>} : memref<128xi32, #tpu.memory_space<vmem>>, vector<16xi32>,
      %swap3A_353 = vector.shape_cast %swap3A_352 : vector<16xi32> to vector<16xi32>
      %swap3A_354 = vector.shape_cast %add3A_350 : vector<16xi32> to vector<16xi32>
      tpu.vector_store %arg18[%swap3A_351], %swap3A_354 {strides = array<i32>} : memref<128xi32, #tpu.memory_space<vmem>>, vector<16xi32>,
      %get3A_355 = arith.constant 64 : index
      %get3A_356 = tpu.vector_load %arg15[%get3A_355] {strides = array<i32>} : memref<128xi32, #tpu.memory_space<vmem>>, vector<16xi32>,
      %get3A_357 = vector.shape_cast %get3A_356 : vector<16xi32> to vector<16xi32>
      %mul3A_358 = arith.constant 69 : i32
      %mul3A_359 = vector.broadcast %mul3A_358 : i32 to vector<16xi32>
      %mul3A_360 = arith.muli %get3A_357, %mul3A_359 : vector<16xi32>
      %get3A_361 = arith.constant 64 : index
      %get3A_362 = tpu.vector_load %arg16[%get3A_361] {strides = array<i32>} : memref<128xi32, #tpu.memory_space<vmem>>, vector<16xi32>,
      %get3A_363 = vector.shape_cast %get3A_362 : vector<16xi32> to vector<16xi32>
      %mul3A_364 = arith.constant 3 : i32
      %mul3A_365 = vector.broadcast %mul3A_364 : i32 to vector<16xi32>
      %mul3A_366 = arith.muli %get3A_363, %mul3A_365 : vector<16xi32>
      %add3A_367 = arith.addi %mul3A_360, %mul3A_366 : vector<16xi32>
      %get3A_368 = arith.constant 64 : index
      %get3A_369 = tpu.vector_load %arg17[%get3A_368] {strides = array<i32>} : memref<128xi32, #tpu.memory_space<vmem>>, vector<16xi32>,
      %get3A_370 = vector.shape_cast %get3A_369 : vector<16xi32> to vector<16xi32>
      %add3A_371 = arith.addi %add3A_367, %get3A_370 : vector<16xi32>
      %swap3A_372 = arith.constant 64 : index
      %swap3A_373 = tpu.vector_load %arg18[%swap3A_372] {strides = array<i32>} : memref<128xi32, #tpu.memory_space<vmem>>, vector<16xi32>,
      %swap3A_374 = vector.shape_cast %swap3A_373 : vector<16xi32> to vector<16xi32>
      %swap3A_375 = vector.shape_cast %add3A_371 : vector<16xi32> to vector<16xi32>
      tpu.vector_store %arg18[%swap3A_372], %swap3A_375 {strides = array<i32>} : memref<128xi32, #tpu.memory_space<vmem>>, vector<16xi32>,
      %get3A_376 = arith.constant 80 : index
      %get3A_377 = tpu.vector_load %arg15[%get3A_376] {strides = array<i32>} : memref<128xi32, #tpu.memory_space<vmem>>, vector<16xi32>,
      %get3A_378 = vector.shape_cast %get3A_377 : vector<16xi32> to vector<16xi32>
      %mul3A_379 = arith.constant 69 : i32
      %mul3A_380 = vector.broadcast %mul3A_379 : i32 to vector<16xi32>
      %mul3A_381 = arith.muli %get3A_378, %mul3A_380 : vector<16xi32>
      %get3A_382 = arith.constant 80 : index
      %get3A_383 = tpu.vector_load %arg16[%get3A_382] {strides = array<i32>} : memref<128xi32, #tpu.memory_space<vmem>>, vector<16xi32>,
      %get3A_384 = vector.shape_cast %get3A_383 : vector<16xi32> to vector<16xi32>
      %mul3A_385 = arith.constant 3 : i32
      %mul3A_386 = vector.broadcast %mul3A_385 : i32 to vector<16xi32>
      %mul3A_387 = arith.muli %get3A_384, %mul3A_386 : vector<16xi32>
      %add3A_388 = arith.addi %mul3A_381, %mul3A_387 : vector<16xi32>
      %get3A_389 = arith.constant 80 : index
      %get3A_390 = tpu.vector_load %arg17[%get3A_389] {strides = array<i32>} : memref<128xi32, #tpu.memory_space<vmem>>, vector<16xi32>,
      %get3A_391 = vector.shape_cast %get3A_390 : vector<16xi32> to vector<16xi32>
      %add3A_392 = arith.addi %add3A_388, %get3A_391 : vector<16xi32>
      %swap3A_393 = arith.constant 80 : index
      %swap3A_394 = tpu.vector_load %arg18[%swap3A_393] {strides = array<i32>} : memref<128xi32, #tpu.memory_space<vmem>>, vector<16xi32>,
      %swap3A_395 = vector.shape_cast %swap3A_394 : vector<16xi32> to vector<16xi32>
      %swap3A_396 = vector.shape_cast %add3A_392 : vector<16xi32> to vector<16xi32>
      tpu.vector_store %arg18[%swap3A_393], %swap3A_396 {strides = array<i32>} : memref<128xi32, #tpu.memory_space<vmem>>, vector<16xi32>,
      %get3A_397 = arith.constant 96 : index
      %get3A_398 = tpu.vector_load %arg15[%get3A_397] {strides = array<i32>} : memref<128xi32, #tpu.memory_space<vmem>>, vector<16xi32>,
      %get3A_399 = vector.shape_cast %get3A_398 : vector<16xi32> to vector<16xi32>
      %mul3A_400 = arith.constant 69 : i32
      %mul3A_401 = vector.broadcast %mul3A_400 : i32 to vector<16xi32>
      %mul3A_402 = arith.muli %get3A_399, %mul3A_401 : vector<16xi32>
      %get3A_403 = arith.constant 96 : index
      %get3A_404 = tpu.vector_load %arg16[%get3A_403] {strides = array<i32>} : memref<128xi32, #tpu.memory_space<vmem>>, vector<16xi32>,
      %get3A_405 = vector.shape_cast %get3A_404 : vector<16xi32> to vector<16xi32>
      %mul3A_406 = arith.constant 3 : i32
      %mul3A_407 = vector.broadcast %mul3A_406 : i32 to vector<16xi32>
      %mul3A_408 = arith.muli %get3A_405, %mul3A_407 : vector<16xi32>
      %add3A_409 = arith.addi %mul3A_402, %mul3A_408 : vector<16xi32>
      %get3A_410 = arith.constant 96 : index
      %get3A_411 = tpu.vector_load %arg17[%get3A_410] {strides = array<i32>} : memref<128xi32, #tpu.memory_space<vmem>>, vector<16xi32>,
      %get3A_412 = vector.shape_cast %get3A_411 : vector<16xi32> to vector<16xi32>
      %add3A_413 = arith.addi %add3A_409, %get3A_412 : vector<16xi32>
      %swap3A_414 = arith.constant 96 : index
      %swap3A_415 = tpu.vector_load %arg18[%swap3A_414] {strides = array<i32>} : memref<128xi32, #tpu.memory_space<vmem>>, vector<16xi32>,
      %swap3A_416 = vector.shape_cast %swap3A_415 : vector<16xi32> to vector<16xi32>
      %swap3A_417 = vector.shape_cast %add3A_413 : vector<16xi32> to vector<16xi32>
      tpu.vector_store %arg18[%swap3A_414], %swap3A_417 {strides = array<i32>} : memref<128xi32, #tpu.memory_space<vmem>>, vector<16xi32>,
      %get3A_418 = arith.constant 112 : index
      %get3A_419 = tpu.vector_load %arg15[%get3A_418] {strides = array<i32>} : memref<128xi32, #tpu.memory_space<vmem>>, vector<16xi32>,
      %get3A_420 = vector.shape_cast %get3A_419 : vector<16xi32> to vector<16xi32>
      %mul3A_421 = arith.constant 69 : i32
      %mul3A_422 = vector.broadcast %mul3A_421 : i32 to vector<16xi32>
      %mul3A_423 = arith.muli %get3A_420, %mul3A_422 : vector<16xi32>
      %get3A_424 = arith.constant 112 : index
      %get3A_425 = tpu.vector_load %arg16[%get3A_424] {strides = array<i32>} : memref<128xi32, #tpu.memory_space<vmem>>, vector<16xi32>,
      %get3A_426 = vector.shape_cast %get3A_425 : vector<16xi32> to vector<16xi32>
      %mul3A_427 = arith.constant 3 : i32
      %mul3A_428 = vector.broadcast %mul3A_427 : i32 to vector<16xi32>
      %mul3A_429 = arith.muli %get3A_426, %mul3A_428 : vector<16xi32>
      %add3A_430 = arith.addi %mul3A_423, %mul3A_429 : vector<16xi32>
      %get3A_431 = arith.constant 112 : index
      %get3A_432 = tpu.vector_load %arg17[%get3A_431] {strides = array<i32>} : memref<128xi32, #tpu.memory_space<vmem>>, vector<16xi32>,
      %get3A_433 = vector.shape_cast %get3A_432 : vector<16xi32> to vector<16xi32>
      %add3A_434 = arith.addi %add3A_430, %get3A_433 : vector<16xi32>
      %swap3A_435 = arith.constant 112 : index
      %swap3A_436 = tpu.vector_load %arg18[%swap3A_435] {strides = array<i32>} : memref<128xi32, #tpu.memory_space<vmem>>, vector<16xi32>,
      %swap3A_437 = vector.shape_cast %swap3A_436 : vector<16xi32> to vector<16xi32>
      %swap3A_438 = vector.shape_cast %add3A_434 : vector<16xi32> to vector<16xi32>
      tpu.vector_store %arg18[%swap3A_435], %swap3A_438 {strides = array<i32>} : memref<128xi32, #tpu.memory_space<vmem>>, vector<16xi32>,
      %gt3A_439 = arith.constant 0 : i32
      %gt3A_440 = arith.cmpi sgt, %scan3A_75, %gt3A_439 : i32
      %convert_element_type3A_441 = arith.extui %gt3A_440 : i1 to i32
      %cond3A_442 = arith.constant 0 : i32
      %cond3A_443 = arith.cmpi ne, %convert_element_type3A_441, %cond3A_442 : i32
      scf.if %cond3A_443 {
        %dma_wait3A_913 = arith.constant 0 : i32
        %dma_wait3A_914 = arith.constant 0 : i32
        %dma_wait3A_915 = tpu.memref_slice %arg6[%dma_wait3A_913, %dma_wait3A_914] : memref<800000x64xf32, #tpu.memory_space<hbm>> -> memref<128x64xf32, #tpu.memory_space<hbm>>
        %dma_wait3A_916 = arith.constant 0 : i32
        %dma_wait3A_917 = arith.constant 0 : i32
        %dma_wait3A_918 = tpu.memref_slice %arg6[%dma_wait3A_916, %dma_wait3A_917] : memref<800000x64xf32, #tpu.memory_space<hbm>> -> memref<128x64xf32, #tpu.memory_space<hbm>>
        tpu.wait_dma2 semaphore(%arg22 : memref<!tpu.dma_semaphore, #tpu.memory_space<semaphore_mem>>) src(%arg19 : memref<128x64xf32, #tpu.memory_space<vmem>>) dst(%dma_wait3A_918 : memref<128x64xf32, #tpu.memory_space<hbm>>)
      } else {
      }
      %dma_start3A_444 = arith.constant 0 : i32
      %dma_start3A_445 = arith.constant 0 : i32
      %dma_start3A_446 = tpu.memref_slice %arg5[%dma_start3A_444, %dma_start3A_445] : memref<552x64xf32, #tpu.memory_space<hbm>> -> memref<552x64xf32, #tpu.memory_space<hbm>>
      tpu.enqueue_indirect_dma source(%dma_start3A_446 : memref<552x64xf32, #tpu.memory_space<hbm>>) target(%arg19 : memref<128x64xf32, #tpu.memory_space<vmem>>) offsets(%arg18 : memref<128xi32, #tpu.memory_space<vmem>>) semaphore(%arg21 : memref<!tpu.dma_semaphore, #tpu.memory_space<semaphore_mem>>)
      %dma_wait3A_447 = arith.constant 0 : i32
      %dma_wait3A_448 = tpu.memref_slice %arg2[%dma_wait3A_447] : memref<800000xi32, #tpu.memory_space<hbm>> -> memref<128xi32, #tpu.memory_space<hbm>>
      %dma_wait3A_449 = arith.constant 0 : i32
      %dma_wait3A_450 = tpu.memref_slice %arg2[%dma_wait3A_449] : memref<800000xi32, #tpu.memory_space<hbm>> -> memref<128xi32, #tpu.memory_space<hbm>>
      tpu.wait_dma2 semaphore(%arg28 : memref<!tpu.dma_semaphore, #tpu.memory_space<semaphore_mem>>) src(%dma_wait3A_450 : memref<128xi32, #tpu.memory_space<hbm>>) dst(%arg23 : memref<128xi32, #tpu.memory_space<vmem>>)
      %dma_wait3A_451 = arith.constant 0 : i32
      %dma_wait3A_452 = tpu.memref_slice %arg3[%dma_wait3A_451] : memref<800000xi32, #tpu.memory_space<hbm>> -> memref<128xi32, #tpu.memory_space<hbm>>
      %dma_wait3A_453 = arith.constant 0 : i32
      %dma_wait3A_454 = tpu.memref_slice %arg3[%dma_wait3A_453] : memref<800000xi32, #tpu.memory_space<hbm>> -> memref<128xi32, #tpu.memory_space<hbm>>
      tpu.wait_dma2 semaphore(%arg28 : memref<!tpu.dma_semaphore, #tpu.memory_space<semaphore_mem>>) src(%dma_wait3A_454 : memref<128xi32, #tpu.memory_space<hbm>>) dst(%arg24 : memref<128xi32, #tpu.memory_space<vmem>>)
      %dma_wait3A_455 = arith.constant 0 : i32
      %dma_wait3A_456 = tpu.memref_slice %arg4[%dma_wait3A_455] : memref<800000xi32, #tpu.memory_space<hbm>> -> memref<128xi32, #tpu.memory_space<hbm>>
      %dma_wait3A_457 = arith.constant 0 : i32
      %dma_wait3A_458 = tpu.memref_slice %arg4[%dma_wait3A_457] : memref<800000xi32, #tpu.memory_space<hbm>> -> memref<128xi32, #tpu.memory_space<hbm>>
      tpu.wait_dma2 semaphore(%arg28 : memref<!tpu.dma_semaphore, #tpu.memory_space<semaphore_mem>>) src(%dma_wait3A_458 : memref<128xi32, #tpu.memory_space<hbm>>) dst(%arg25 : memref<128xi32, #tpu.memory_space<vmem>>)
      %get3A_459 = arith.constant 0 : index
      %get3A_460 = tpu.vector_load %arg23[%get3A_459] {strides = array<i32>} : memref<128xi32, #tpu.memory_space<vmem>>, vector<16xi32>,
      %get3A_461 = vector.shape_cast %get3A_460 : vector<16xi32> to vector<16xi32>
      %mul3A_462 = arith.constant 69 : i32
      %mul3A_463 = vector.broadcast %mul3A_462 : i32 to vector<16xi32>
      %mul3A_464 = arith.muli %get3A_461, %mul3A_463 : vector<16xi32>
      %get3A_465 = arith.constant 0 : index
      %get3A_466 = tpu.vector_load %arg24[%get3A_465] {strides = array<i32>} : memref<128xi32, #tpu.memory_space<vmem>>, vector<16xi32>,
      %get3A_467 = vector.shape_cast %get3A_466 : vector<16xi32> to vector<16xi32>
      %mul3A_468 = arith.constant 3 : i32
      %mul3A_469 = vector.broadcast %mul3A_468 : i32 to vector<16xi32>
      %mul3A_470 = arith.muli %get3A_467, %mul3A_469 : vector<16xi32>
      %add3A_471 = arith.addi %mul3A_464, %mul3A_470 : vector<16xi32>
      %get3A_472 = arith.constant 0 : index
      %get3A_473 = tpu.vector_load %arg25[%get3A_472] {strides = array<i32>} : memref<128xi32, #tpu.memory_space<vmem>>, vector<16xi32>,
      %get3A_474 = vector.shape_cast %get3A_473 : vector<16xi32> to vector<16xi32>
      %add3A_475 = arith.addi %add3A_471, %get3A_474 : vector<16xi32>
      %swap3A_476 = arith.constant 0 : index
      %swap3A_477 = tpu.vector_load %arg26[%swap3A_476] {strides = array<i32>} : memref<128xi32, #tpu.memory_space<vmem>>, vector<16xi32>,
      %swap3A_478 = vector.shape_cast %swap3A_477 : vector<16xi32> to vector<16xi32>
      %swap3A_479 = vector.shape_cast %add3A_475 : vector<16xi32> to vector<16xi32>
      tpu.vector_store %arg26[%swap3A_476], %swap3A_479 {strides = array<i32>} : memref<128xi32, #tpu.memory_space<vmem>>, vector<16xi32>,
      %get3A_480 = arith.constant 16 : index
      %get3A_481 = tpu.vector_load %arg23[%get3A_480] {strides = array<i32>} : memref<128xi32, #tpu.memory_space<vmem>>, vector<16xi32>,
      %get3A_482 = vector.shape_cast %get3A_481 : vector<16xi32> to vector<16xi32>
      %mul3A_483 = arith.constant 69 : i32
      %mul3A_484 = vector.broadcast %mul3A_483 : i32 to vector<16xi32>
      %mul3A_485 = arith.muli %get3A_482, %mul3A_484 : vector<16xi32>
      %get3A_486 = arith.constant 16 : index
      %get3A_487 = tpu.vector_load %arg24[%get3A_486] {strides = array<i32>} : memref<128xi32, #tpu.memory_space<vmem>>, vector<16xi32>,
      %get3A_488 = vector.shape_cast %get3A_487 : vector<16xi32> to vector<16xi32>
      %mul3A_489 = arith.constant 3 : i32
      %mul3A_490 = vector.broadcast %mul3A_489 : i32 to vector<16xi32>
      %mul3A_491 = arith.muli %get3A_488, %mul3A_490 : vector<16xi32>
      %add3A_492 = arith.addi %mul3A_485, %mul3A_491 : vector<16xi32>
      %get3A_493 = arith.constant 16 : index
      %get3A_494 = tpu.vector_load %arg25[%get3A_493] {strides = array<i32>} : memref<128xi32, #tpu.memory_space<vmem>>, vector<16xi32>,
      %get3A_495 = vector.shape_cast %get3A_494 : vector<16xi32> to vector<16xi32>
      %add3A_496 = arith.addi %add3A_492, %get3A_495 : vector<16xi32>
      %swap3A_497 = arith.constant 16 : index
      %swap3A_498 = tpu.vector_load %arg26[%swap3A_497] {strides = array<i32>} : memref<128xi32, #tpu.memory_space<vmem>>, vector<16xi32>,
      %swap3A_499 = vector.shape_cast %swap3A_498 : vector<16xi32> to vector<16xi32>
      %swap3A_500 = vector.shape_cast %add3A_496 : vector<16xi32> to vector<16xi32>
      tpu.vector_store %arg26[%swap3A_497], %swap3A_500 {strides = array<i32>} : memref<128xi32, #tpu.memory_space<vmem>>, vector<16xi32>,
      %get3A_501 = arith.constant 32 : index
      %get3A_502 = tpu.vector_load %arg23[%get3A_501] {strides = array<i32>} : memref<128xi32, #tpu.memory_space<vmem>>, vector<16xi32>,
      %get3A_503 = vector.shape_cast %get3A_502 : vector<16xi32> to vector<16xi32>
      %mul3A_504 = arith.constant 69 : i32
      %mul3A_505 = vector.broadcast %mul3A_504 : i32 to vector<16xi32>
      %mul3A_506 = arith.muli %get3A_503, %mul3A_505 : vector<16xi32>
      %get3A_507 = arith.constant 32 : index
      %get3A_508 = tpu.vector_load %arg24[%get3A_507] {strides = array<i32>} : memref<128xi32, #tpu.memory_space<vmem>>, vector<16xi32>,
      %get3A_509 = vector.shape_cast %get3A_508 : vector<16xi32> to vector<16xi32>
      %mul3A_510 = arith.constant 3 : i32
      %mul3A_511 = vector.broadcast %mul3A_510 : i32 to vector<16xi32>
      %mul3A_512 = arith.muli %get3A_509, %mul3A_511 : vector<16xi32>
      %add3A_513 = arith.addi %mul3A_506, %mul3A_512 : vector<16xi32>
      %get3A_514 = arith.constant 32 : index
      %get3A_515 = tpu.vector_load %arg25[%get3A_514] {strides = array<i32>} : memref<128xi32, #tpu.memory_space<vmem>>, vector<16xi32>,
      %get3A_516 = vector.shape_cast %get3A_515 : vector<16xi32> to vector<16xi32>
      %add3A_517 = arith.addi %add3A_513, %get3A_516 : vector<16xi32>
      %swap3A_518 = arith.constant 32 : index
      %swap3A_519 = tpu.vector_load %arg26[%swap3A_518] {strides = array<i32>} : memref<128xi32, #tpu.memory_space<vmem>>, vector<16xi32>,
      %swap3A_520 = vector.shape_cast %swap3A_519 : vector<16xi32> to vector<16xi32>
      %swap3A_521 = vector.shape_cast %add3A_517 : vector<16xi32> to vector<16xi32>
      tpu.vector_store %arg26[%swap3A_518], %swap3A_521 {strides = array<i32>} : memref<128xi32, #tpu.memory_space<vmem>>, vector<16xi32>,
      %get3A_522 = arith.constant 48 : index
      %get3A_523 = tpu.vector_load %arg23[%get3A_522] {strides = array<i32>} : memref<128xi32, #tpu.memory_space<vmem>>, vector<16xi32>,
      %get3A_524 = vector.shape_cast %get3A_523 : vector<16xi32> to vector<16xi32>
      %mul3A_525 = arith.constant 69 : i32
      %mul3A_526 = vector.broadcast %mul3A_525 : i32 to vector<16xi32>
      %mul3A_527 = arith.muli %get3A_524, %mul3A_526 : vector<16xi32>
      %get3A_528 = arith.constant 48 : index
      %get3A_529 = tpu.vector_load %arg24[%get3A_528] {strides = array<i32>} : memref<128xi32, #tpu.memory_space<vmem>>, vector<16xi32>,
      %get3A_530 = vector.shape_cast %get3A_529 : vector<16xi32> to vector<16xi32>
      %mul3A_531 = arith.constant 3 : i32
      %mul3A_532 = vector.broadcast %mul3A_531 : i32 to vector<16xi32>
      %mul3A_533 = arith.muli %get3A_530, %mul3A_532 : vector<16xi32>
      %add3A_534 = arith.addi %mul3A_527, %mul3A_533 : vector<16xi32>
      %get3A_535 = arith.constant 48 : index
      %get3A_536 = tpu.vector_load %arg25[%get3A_535] {strides = array<i32>} : memref<128xi32, #tpu.memory_space<vmem>>, vector<16xi32>,
      %get3A_537 = vector.shape_cast %get3A_536 : vector<16xi32> to vector<16xi32>
      %add3A_538 = arith.addi %add3A_534, %get3A_537 : vector<16xi32>
      %swap3A_539 = arith.constant 48 : index
      %swap3A_540 = tpu.vector_load %arg26[%swap3A_539] {strides = array<i32>} : memref<128xi32, #tpu.memory_space<vmem>>, vector<16xi32>,
      %swap3A_541 = vector.shape_cast %swap3A_540 : vector<16xi32> to vector<16xi32>
      %swap3A_542 = vector.shape_cast %add3A_538 : vector<16xi32> to vector<16xi32>
      tpu.vector_store %arg26[%swap3A_539], %swap3A_542 {strides = array<i32>} : memref<128xi32, #tpu.memory_space<vmem>>, vector<16xi32>,
      %get3A_543 = arith.constant 64 : index
      %get3A_544 = tpu.vector_load %arg23[%get3A_543] {strides = array<i32>} : memref<128xi32, #tpu.memory_space<vmem>>, vector<16xi32>,
      %get3A_545 = vector.shape_cast %get3A_544 : vector<16xi32> to vector<16xi32>
      %mul3A_546 = arith.constant 69 : i32
      %mul3A_547 = vector.broadcast %mul3A_546 : i32 to vector<16xi32>
      %mul3A_548 = arith.muli %get3A_545, %mul3A_547 : vector<16xi32>
      %get3A_549 = arith.constant 64 : index
      %get3A_550 = tpu.vector_load %arg24[%get3A_549] {strides = array<i32>} : memref<128xi32, #tpu.memory_space<vmem>>, vector<16xi32>,
      %get3A_551 = vector.shape_cast %get3A_550 : vector<16xi32> to vector<16xi32>
      %mul3A_552 = arith.constant 3 : i32
      %mul3A_553 = vector.broadcast %mul3A_552 : i32 to vector<16xi32>
      %mul3A_554 = arith.muli %get3A_551, %mul3A_553 : vector<16xi32>
      %add3A_555 = arith.addi %mul3A_548, %mul3A_554 : vector<16xi32>
      %get3A_556 = arith.constant 64 : index
      %get3A_557 = tpu.vector_load %arg25[%get3A_556] {strides = array<i32>} : memref<128xi32, #tpu.memory_space<vmem>>, vector<16xi32>,
      %get3A_558 = vector.shape_cast %get3A_557 : vector<16xi32> to vector<16xi32>
      %add3A_559 = arith.addi %add3A_555, %get3A_558 : vector<16xi32>
      %swap3A_560 = arith.constant 64 : index
      %swap3A_561 = tpu.vector_load %arg26[%swap3A_560] {strides = array<i32>} : memref<128xi32, #tpu.memory_space<vmem>>, vector<16xi32>,
      %swap3A_562 = vector.shape_cast %swap3A_561 : vector<16xi32> to vector<16xi32>
      %swap3A_563 = vector.shape_cast %add3A_559 : vector<16xi32> to vector<16xi32>
      tpu.vector_store %arg26[%swap3A_560], %swap3A_563 {strides = array<i32>} : memref<128xi32, #tpu.memory_space<vmem>>, vector<16xi32>,
      %get3A_564 = arith.constant 80 : index
      %get3A_565 = tpu.vector_load %arg23[%get3A_564] {strides = array<i32>} : memref<128xi32, #tpu.memory_space<vmem>>, vector<16xi32>,
      %get3A_566 = vector.shape_cast %get3A_565 : vector<16xi32> to vector<16xi32>
      %mul3A_567 = arith.constant 69 : i32
      %mul3A_568 = vector.broadcast %mul3A_567 : i32 to vector<16xi32>
      %mul3A_569 = arith.muli %get3A_566, %mul3A_568 : vector<16xi32>
      %get3A_570 = arith.constant 80 : index
      %get3A_571 = tpu.vector_load %arg24[%get3A_570] {strides = array<i32>} : memref<128xi32, #tpu.memory_space<vmem>>, vector<16xi32>,
      %get3A_572 = vector.shape_cast %get3A_571 : vector<16xi32> to vector<16xi32>
      %mul3A_573 = arith.constant 3 : i32
      %mul3A_574 = vector.broadcast %mul3A_573 : i32 to vector<16xi32>
      %mul3A_575 = arith.muli %get3A_572, %mul3A_574 : vector<16xi32>
      %add3A_576 = arith.addi %mul3A_569, %mul3A_575 : vector<16xi32>
      %get3A_577 = arith.constant 80 : index
      %get3A_578 = tpu.vector_load %arg25[%get3A_577] {strides = array<i32>} : memref<128xi32, #tpu.memory_space<vmem>>, vector<16xi32>,
      %get3A_579 = vector.shape_cast %get3A_578 : vector<16xi32> to vector<16xi32>
      %add3A_580 = arith.addi %add3A_576, %get3A_579 : vector<16xi32>
      %swap3A_581 = arith.constant 80 : index
      %swap3A_582 = tpu.vector_load %arg26[%swap3A_581] {strides = array<i32>} : memref<128xi32, #tpu.memory_space<vmem>>, vector<16xi32>,
      %swap3A_583 = vector.shape_cast %swap3A_582 : vector<16xi32> to vector<16xi32>
      %swap3A_584 = vector.shape_cast %add3A_580 : vector<16xi32> to vector<16xi32>
      tpu.vector_store %arg26[%swap3A_581], %swap3A_584 {strides = array<i32>} : memref<128xi32, #tpu.memory_space<vmem>>, vector<16xi32>,
      %get3A_585 = arith.constant 96 : index
      %get3A_586 = tpu.vector_load %arg23[%get3A_585] {strides = array<i32>} : memref<128xi32, #tpu.memory_space<vmem>>, vector<16xi32>,
      %get3A_587 = vector.shape_cast %get3A_586 : vector<16xi32> to vector<16xi32>
      %mul3A_588 = arith.constant 69 : i32
      %mul3A_589 = vector.broadcast %mul3A_588 : i32 to vector<16xi32>
      %mul3A_590 = arith.muli %get3A_587, %mul3A_589 : vector<16xi32>
      %get3A_591 = arith.constant 96 : index
      %get3A_592 = tpu.vector_load %arg24[%get3A_591] {strides = array<i32>} : memref<128xi32, #tpu.memory_space<vmem>>, vector<16xi32>,
      %get3A_593 = vector.shape_cast %get3A_592 : vector<16xi32> to vector<16xi32>
      %mul3A_594 = arith.constant 3 : i32
      %mul3A_595 = vector.broadcast %mul3A_594 : i32 to vector<16xi32>
      %mul3A_596 = arith.muli %get3A_593, %mul3A_595 : vector<16xi32>
      %add3A_597 = arith.addi %mul3A_590, %mul3A_596 : vector<16xi32>
      %get3A_598 = arith.constant 96 : index
      %get3A_599 = tpu.vector_load %arg25[%get3A_598] {strides = array<i32>} : memref<128xi32, #tpu.memory_space<vmem>>, vector<16xi32>,
      %get3A_600 = vector.shape_cast %get3A_599 : vector<16xi32> to vector<16xi32>
      %add3A_601 = arith.addi %add3A_597, %get3A_600 : vector<16xi32>
      %swap3A_602 = arith.constant 96 : index
      %swap3A_603 = tpu.vector_load %arg26[%swap3A_602] {strides = array<i32>} : memref<128xi32, #tpu.memory_space<vmem>>, vector<16xi32>,
      %swap3A_604 = vector.shape_cast %swap3A_603 : vector<16xi32> to vector<16xi32>
      %swap3A_605 = vector.shape_cast %add3A_601 : vector<16xi32> to vector<16xi32>
      tpu.vector_store %arg26[%swap3A_602], %swap3A_605 {strides = array<i32>} : memref<128xi32, #tpu.memory_space<vmem>>, vector<16xi32>,
      %get3A_606 = arith.constant 112 : index
      %get3A_607 = tpu.vector_load %arg23[%get3A_606] {strides = array<i32>} : memref<128xi32, #tpu.memory_space<vmem>>, vector<16xi32>,
      %get3A_608 = vector.shape_cast %get3A_607 : vector<16xi32> to vector<16xi32>
      %mul3A_609 = arith.constant 69 : i32
      %mul3A_610 = vector.broadcast %mul3A_609 : i32 to vector<16xi32>
      %mul3A_611 = arith.muli %get3A_608, %mul3A_610 : vector<16xi32>
      %get3A_612 = arith.constant 112 : index
      %get3A_613 = tpu.vector_load %arg24[%get3A_612] {strides = array<i32>} : memref<128xi32, #tpu.memory_space<vmem>>, vector<16xi32>,
      %get3A_614 = vector.shape_cast %get3A_613 : vector<16xi32> to vector<16xi32>
      %mul3A_615 = arith.constant 3 : i32
      %mul3A_616 = vector.broadcast %mul3A_615 : i32 to vector<16xi32>
      %mul3A_617 = arith.muli %get3A_614, %mul3A_616 : vector<16xi32>
      %add3A_618 = arith.addi %mul3A_611, %mul3A_617 : vector<16xi32>
      %get3A_619 = arith.constant 112 : index
      %get3A_620 = tpu.vector_load %arg25[%get3A_619] {strides = array<i32>} : memref<128xi32, #tpu.memory_space<vmem>>, vector<16xi32>,
      %get3A_621 = vector.shape_cast %get3A_620 : vector<16xi32> to vector<16xi32>
      %add3A_622 = arith.addi %add3A_618, %get3A_621 : vector<16xi32>
      %swap3A_623 = arith.constant 112 : index
      %swap3A_624 = tpu.vector_load %arg26[%swap3A_623] {strides = array<i32>} : memref<128xi32, #tpu.memory_space<vmem>>, vector<16xi32>,
      %swap3A_625 = vector.shape_cast %swap3A_624 : vector<16xi32> to vector<16xi32>
      %swap3A_626 = vector.shape_cast %add3A_622 : vector<16xi32> to vector<16xi32>
      tpu.vector_store %arg26[%swap3A_623], %swap3A_626 {strides = array<i32>} : memref<128xi32, #tpu.memory_space<vmem>>, vector<16xi32>,
      %gt3A_627 = arith.constant 0 : i32
      %gt3A_628 = arith.cmpi sgt, %scan3A_75, %gt3A_627 : i32
      %convert_element_type3A_629 = arith.extui %gt3A_628 : i1 to i32
      %cond3A_630 = arith.constant 0 : i32
      %cond3A_631 = arith.cmpi ne, %convert_element_type3A_629, %cond3A_630 : i32
      scf.if %cond3A_631 {
        %dma_wait3A_913 = arith.constant 0 : i32
        %dma_wait3A_914 = arith.constant 0 : i32
        %dma_wait3A_915 = tpu.memref_slice %arg6[%dma_wait3A_913, %dma_wait3A_914] : memref<800000x64xf32, #tpu.memory_space<hbm>> -> memref<128x64xf32, #tpu.memory_space<hbm>>
        %dma_wait3A_916 = arith.constant 0 : i32
        %dma_wait3A_917 = arith.constant 0 : i32
        %dma_wait3A_918 = tpu.memref_slice %arg6[%dma_wait3A_916, %dma_wait3A_917] : memref<800000x64xf32, #tpu.memory_space<hbm>> -> memref<128x64xf32, #tpu.memory_space<hbm>>
        tpu.wait_dma2 semaphore(%arg30 : memref<!tpu.dma_semaphore, #tpu.memory_space<semaphore_mem>>) src(%arg27 : memref<128x64xf32, #tpu.memory_space<vmem>>) dst(%dma_wait3A_918 : memref<128x64xf32, #tpu.memory_space<hbm>>)
      } else {
      }
      %dma_start3A_632 = arith.constant 0 : i32
      %dma_start3A_633 = arith.constant 0 : i32
      %dma_start3A_634 = tpu.memref_slice %arg5[%dma_start3A_632, %dma_start3A_633] : memref<552x64xf32, #tpu.memory_space<hbm>> -> memref<552x64xf32, #tpu.memory_space<hbm>>
      tpu.enqueue_indirect_dma source(%dma_start3A_634 : memref<552x64xf32, #tpu.memory_space<hbm>>) target(%arg27 : memref<128x64xf32, #tpu.memory_space<vmem>>) offsets(%arg26 : memref<128xi32, #tpu.memory_space<vmem>>) semaphore(%arg29 : memref<!tpu.dma_semaphore, #tpu.memory_space<semaphore_mem>>)
      %dma_wait3A_635 = arith.constant 0 : i32
      %dma_wait3A_636 = tpu.memref_slice %arg2[%dma_wait3A_635] : memref<800000xi32, #tpu.memory_space<hbm>> -> memref<128xi32, #tpu.memory_space<hbm>>
      %dma_wait3A_637 = arith.constant 0 : i32
      %dma_wait3A_638 = tpu.memref_slice %arg2[%dma_wait3A_637] : memref<800000xi32, #tpu.memory_space<hbm>> -> memref<128xi32, #tpu.memory_space<hbm>>
      tpu.wait_dma2 semaphore(%arg36 : memref<!tpu.dma_semaphore, #tpu.memory_space<semaphore_mem>>) src(%dma_wait3A_638 : memref<128xi32, #tpu.memory_space<hbm>>) dst(%arg31 : memref<128xi32, #tpu.memory_space<vmem>>)
      %dma_wait3A_639 = arith.constant 0 : i32
      %dma_wait3A_640 = tpu.memref_slice %arg3[%dma_wait3A_639] : memref<800000xi32, #tpu.memory_space<hbm>> -> memref<128xi32, #tpu.memory_space<hbm>>
      %dma_wait3A_641 = arith.constant 0 : i32
      %dma_wait3A_642 = tpu.memref_slice %arg3[%dma_wait3A_641] : memref<800000xi32, #tpu.memory_space<hbm>> -> memref<128xi32, #tpu.memory_space<hbm>>
      tpu.wait_dma2 semaphore(%arg36 : memref<!tpu.dma_semaphore, #tpu.memory_space<semaphore_mem>>) src(%dma_wait3A_642 : memref<128xi32, #tpu.memory_space<hbm>>) dst(%arg32 : memref<128xi32, #tpu.memory_space<vmem>>)
      %dma_wait3A_643 = arith.constant 0 : i32
      %dma_wait3A_644 = tpu.memref_slice %arg4[%dma_wait3A_643] : memref<800000xi32, #tpu.memory_space<hbm>> -> memref<128xi32, #tpu.memory_space<hbm>>
      %dma_wait3A_645 = arith.constant 0 : i32
      %dma_wait3A_646 = tpu.memref_slice %arg4[%dma_wait3A_645] : memref<800000xi32, #tpu.memory_space<hbm>> -> memref<128xi32, #tpu.memory_space<hbm>>
      tpu.wait_dma2 semaphore(%arg36 : memref<!tpu.dma_semaphore, #tpu.memory_space<semaphore_mem>>) src(%dma_wait3A_646 : memref<128xi32, #tpu.memory_space<hbm>>) dst(%arg33 : memref<128xi32, #tpu.memory_space<vmem>>)
      %get3A_647 = arith.constant 0 : index
      %get3A_648 = tpu.vector_load %arg31[%get3A_647] {strides = array<i32>} : memref<128xi32, #tpu.memory_space<vmem>>, vector<16xi32>,
      %get3A_649 = vector.shape_cast %get3A_648 : vector<16xi32> to vector<16xi32>
      %mul3A_650 = arith.constant 69 : i32
      %mul3A_651 = vector.broadcast %mul3A_650 : i32 to vector<16xi32>
      %mul3A_652 = arith.muli %get3A_649, %mul3A_651 : vector<16xi32>
      %get3A_653 = arith.constant 0 : index
      %get3A_654 = tpu.vector_load %arg32[%get3A_653] {strides = array<i32>} : memref<128xi32, #tpu.memory_space<vmem>>, vector<16xi32>,
      %get3A_655 = vector.shape_cast %get3A_654 : vector<16xi32> to vector<16xi32>
      %mul3A_656 = arith.constant 3 : i32
      %mul3A_657 = vector.broadcast %mul3A_656 : i32 to vector<16xi32>
      %mul3A_658 = arith.muli %get3A_655, %mul3A_657 : vector<16xi32>
      %add3A_659 = arith.addi %mul3A_652, %mul3A_658 : vector<16xi32>
      %get3A_660 = arith.constant 0 : index
      %get3A_661 = tpu.vector_load %arg33[%get3A_660] {strides = array<i32>} : memref<128xi32, #tpu.memory_space<vmem>>, vector<16xi32>,
      %get3A_662 = vector.shape_cast %get3A_661 : vector<16xi32> to vector<16xi32>
      %add3A_663 = arith.addi %add3A_659, %get3A_662 : vector<16xi32>
      %swap3A_664 = arith.constant 0 : index
      %swap3A_665 = tpu.vector_load %arg34[%swap3A_664] {strides = array<i32>} : memref<128xi32, #tpu.memory_space<vmem>>, vector<16xi32>,
      %swap3A_666 = vector.shape_cast %swap3A_665 : vector<16xi32> to vector<16xi32>
      %swap3A_667 = vector.shape_cast %add3A_663 : vector<16xi32> to vector<16xi32>
      tpu.vector_store %arg34[%swap3A_664], %swap3A_667 {strides = array<i32>} : memref<128xi32, #tpu.memory_space<vmem>>, vector<16xi32>,
      %get3A_668 = arith.constant 16 : index
      %get3A_669 = tpu.vector_load %arg31[%get3A_668] {strides = array<i32>} : memref<128xi32, #tpu.memory_space<vmem>>, vector<16xi32>,
      %get3A_670 = vector.shape_cast %get3A_669 : vector<16xi32> to vector<16xi32>
      %mul3A_671 = arith.constant 69 : i32
      %mul3A_672 = vector.broadcast %mul3A_671 : i32 to vector<16xi32>
      %mul3A_673 = arith.muli %get3A_670, %mul3A_672 : vector<16xi32>
      %get3A_674 = arith.constant 16 : index
      %get3A_675 = tpu.vector_load %arg32[%get3A_674] {strides = array<i32>} : memref<128xi32, #tpu.memory_space<vmem>>, vector<16xi32>,
      %get3A_676 = vector.shape_cast %get3A_675 : vector<16xi32> to vector<16xi32>
      %mul3A_677 = arith.constant 3 : i32
      %mul3A_678 = vector.broadcast %mul3A_677 : i32 to vector<16xi32>
      %mul3A_679 = arith.muli %get3A_676, %mul3A_678 : vector<16xi32>
      %add3A_680 = arith.addi %mul3A_673, %mul3A_679 : vector<16xi32>
      %get3A_681 = arith.constant 16 : index
      %get3A_682 = tpu.vector_load %arg33[%get3A_681] {strides = array<i32>} : memref<128xi32, #tpu.memory_space<vmem>>, vector<16xi32>,
      %get3A_683 = vector.shape_cast %get3A_682 : vector<16xi32> to vector<16xi32>
      %add3A_684 = arith.addi %add3A_680, %get3A_683 : vector<16xi32>
      %swap3A_685 = arith.constant 16 : index
      %swap3A_686 = tpu.vector_load %arg34[%swap3A_685] {strides = array<i32>} : memref<128xi32, #tpu.memory_space<vmem>>, vector<16xi32>,
      %swap3A_687 = vector.shape_cast %swap3A_686 : vector<16xi32> to vector<16xi32>
      %swap3A_688 = vector.shape_cast %add3A_684 : vector<16xi32> to vector<16xi32>
      tpu.vector_store %arg34[%swap3A_685], %swap3A_688 {strides = array<i32>} : memref<128xi32, #tpu.memory_space<vmem>>, vector<16xi32>,
      %get3A_689 = arith.constant 32 : index
      %get3A_690 = tpu.vector_load %arg31[%get3A_689] {strides = array<i32>} : memref<128xi32, #tpu.memory_space<vmem>>, vector<16xi32>,
      %get3A_691 = vector.shape_cast %get3A_690 : vector<16xi32> to vector<16xi32>
      %mul3A_692 = arith.constant 69 : i32
      %mul3A_693 = vector.broadcast %mul3A_692 : i32 to vector<16xi32>
      %mul3A_694 = arith.muli %get3A_691, %mul3A_693 : vector<16xi32>
      %get3A_695 = arith.constant 32 : index
      %get3A_696 = tpu.vector_load %arg32[%get3A_695] {strides = array<i32>} : memref<128xi32, #tpu.memory_space<vmem>>, vector<16xi32>,
      %get3A_697 = vector.shape_cast %get3A_696 : vector<16xi32> to vector<16xi32>
      %mul3A_698 = arith.constant 3 : i32
      %mul3A_699 = vector.broadcast %mul3A_698 : i32 to vector<16xi32>
      %mul3A_700 = arith.muli %get3A_697, %mul3A_699 : vector<16xi32>
      %add3A_701 = arith.addi %mul3A_694, %mul3A_700 : vector<16xi32>
      %get3A_702 = arith.constant 32 : index
      %get3A_703 = tpu.vector_load %arg33[%get3A_702] {strides = array<i32>} : memref<128xi32, #tpu.memory_space<vmem>>, vector<16xi32>,
      %get3A_704 = vector.shape_cast %get3A_703 : vector<16xi32> to vector<16xi32>
      %add3A_705 = arith.addi %add3A_701, %get3A_704 : vector<16xi32>
      %swap3A_706 = arith.constant 32 : index
      %swap3A_707 = tpu.vector_load %arg34[%swap3A_706] {strides = array<i32>} : memref<128xi32, #tpu.memory_space<vmem>>, vector<16xi32>,
      %swap3A_708 = vector.shape_cast %swap3A_707 : vector<16xi32> to vector<16xi32>
      %swap3A_709 = vector.shape_cast %add3A_705 : vector<16xi32> to vector<16xi32>
      tpu.vector_store %arg34[%swap3A_706], %swap3A_709 {strides = array<i32>} : memref<128xi32, #tpu.memory_space<vmem>>, vector<16xi32>,
      %get3A_710 = arith.constant 48 : index
      %get3A_711 = tpu.vector_load %arg31[%get3A_710] {strides = array<i32>} : memref<128xi32, #tpu.memory_space<vmem>>, vector<16xi32>,
      %get3A_712 = vector.shape_cast %get3A_711 : vector<16xi32> to vector<16xi32>
      %mul3A_713 = arith.constant 69 : i32
      %mul3A_714 = vector.broadcast %mul3A_713 : i32 to vector<16xi32>
      %mul3A_715 = arith.muli %get3A_712, %mul3A_714 : vector<16xi32>
      %get3A_716 = arith.constant 48 : index
      %get3A_717 = tpu.vector_load %arg32[%get3A_716] {strides = array<i32>} : memref<128xi32, #tpu.memory_space<vmem>>, vector<16xi32>,
      %get3A_718 = vector.shape_cast %get3A_717 : vector<16xi32> to vector<16xi32>
      %mul3A_719 = arith.constant 3 : i32
      %mul3A_720 = vector.broadcast %mul3A_719 : i32 to vector<16xi32>
      %mul3A_721 = arith.muli %get3A_718, %mul3A_720 : vector<16xi32>
      %add3A_722 = arith.addi %mul3A_715, %mul3A_721 : vector<16xi32>
      %get3A_723 = arith.constant 48 : index
      %get3A_724 = tpu.vector_load %arg33[%get3A_723] {strides = array<i32>} : memref<128xi32, #tpu.memory_space<vmem>>, vector<16xi32>,
      %get3A_725 = vector.shape_cast %get3A_724 : vector<16xi32> to vector<16xi32>
      %add3A_726 = arith.addi %add3A_722, %get3A_725 : vector<16xi32>
      %swap3A_727 = arith.constant 48 : index
      %swap3A_728 = tpu.vector_load %arg34[%swap3A_727] {strides = array<i32>} : memref<128xi32, #tpu.memory_space<vmem>>, vector<16xi32>,
      %swap3A_729 = vector.shape_cast %swap3A_728 : vector<16xi32> to vector<16xi32>
      %swap3A_730 = vector.shape_cast %add3A_726 : vector<16xi32> to vector<16xi32>
      tpu.vector_store %arg34[%swap3A_727], %swap3A_730 {strides = array<i32>} : memref<128xi32, #tpu.memory_space<vmem>>, vector<16xi32>,
      %get3A_731 = arith.constant 64 : index
      %get3A_732 = tpu.vector_load %arg31[%get3A_731] {strides = array<i32>} : memref<128xi32, #tpu.memory_space<vmem>>, vector<16xi32>,
      %get3A_733 = vector.shape_cast %get3A_732 : vector<16xi32> to vector<16xi32>
      %mul3A_734 = arith.constant 69 : i32
      %mul3A_735 = vector.broadcast %mul3A_734 : i32 to vector<16xi32>
      %mul3A_736 = arith.muli %get3A_733, %mul3A_735 : vector<16xi32>
      %get3A_737 = arith.constant 64 : index
      %get3A_738 = tpu.vector_load %arg32[%get3A_737] {strides = array<i32>} : memref<128xi32, #tpu.memory_space<vmem>>, vector<16xi32>,
      %get3A_739 = vector.shape_cast %get3A_738 : vector<16xi32> to vector<16xi32>
      %mul3A_740 = arith.constant 3 : i32
      %mul3A_741 = vector.broadcast %mul3A_740 : i32 to vector<16xi32>
      %mul3A_742 = arith.muli %get3A_739, %mul3A_741 : vector<16xi32>
      %add3A_743 = arith.addi %mul3A_736, %mul3A_742 : vector<16xi32>
      %get3A_744 = arith.constant 64 : index
      %get3A_745 = tpu.vector_load %arg33[%get3A_744] {strides = array<i32>} : memref<128xi32, #tpu.memory_space<vmem>>, vector<16xi32>,
      %get3A_746 = vector.shape_cast %get3A_745 : vector<16xi32> to vector<16xi32>
      %add3A_747 = arith.addi %add3A_743, %get3A_746 : vector<16xi32>
      %swap3A_748 = arith.constant 64 : index
      %swap3A_749 = tpu.vector_load %arg34[%swap3A_748] {strides = array<i32>} : memref<128xi32, #tpu.memory_space<vmem>>, vector<16xi32>,
      %swap3A_750 = vector.shape_cast %swap3A_749 : vector<16xi32> to vector<16xi32>
      %swap3A_751 = vector.shape_cast %add3A_747 : vector<16xi32> to vector<16xi32>
      tpu.vector_store %arg34[%swap3A_748], %swap3A_751 {strides = array<i32>} : memref<128xi32, #tpu.memory_space<vmem>>, vector<16xi32>,
      %get3A_752 = arith.constant 80 : index
      %get3A_753 = tpu.vector_load %arg31[%get3A_752] {strides = array<i32>} : memref<128xi32, #tpu.memory_space<vmem>>, vector<16xi32>,
      %get3A_754 = vector.shape_cast %get3A_753 : vector<16xi32> to vector<16xi32>
      %mul3A_755 = arith.constant 69 : i32
      %mul3A_756 = vector.broadcast %mul3A_755 : i32 to vector<16xi32>
      %mul3A_757 = arith.muli %get3A_754, %mul3A_756 : vector<16xi32>
      %get3A_758 = arith.constant 80 : index
      %get3A_759 = tpu.vector_load %arg32[%get3A_758] {strides = array<i32>} : memref<128xi32, #tpu.memory_space<vmem>>, vector<16xi32>,
      %get3A_760 = vector.shape_cast %get3A_759 : vector<16xi32> to vector<16xi32>
      %mul3A_761 = arith.constant 3 : i32
      %mul3A_762 = vector.broadcast %mul3A_761 : i32 to vector<16xi32>
      %mul3A_763 = arith.muli %get3A_760, %mul3A_762 : vector<16xi32>
      %add3A_764 = arith.addi %mul3A_757, %mul3A_763 : vector<16xi32>
      %get3A_765 = arith.constant 80 : index
      %get3A_766 = tpu.vector_load %arg33[%get3A_765] {strides = array<i32>} : memref<128xi32, #tpu.memory_space<vmem>>, vector<16xi32>,
      %get3A_767 = vector.shape_cast %get3A_766 : vector<16xi32> to vector<16xi32>
      %add3A_768 = arith.addi %add3A_764, %get3A_767 : vector<16xi32>
      %swap3A_769 = arith.constant 80 : index
      %swap3A_770 = tpu.vector_load %arg34[%swap3A_769] {strides = array<i32>} : memref<128xi32, #tpu.memory_space<vmem>>, vector<16xi32>,
      %swap3A_771 = vector.shape_cast %swap3A_770 : vector<16xi32> to vector<16xi32>
      %swap3A_772 = vector.shape_cast %add3A_768 : vector<16xi32> to vector<16xi32>
      tpu.vector_store %arg34[%swap3A_769], %swap3A_772 {strides = array<i32>} : memref<128xi32, #tpu.memory_space<vmem>>, vector<16xi32>,
      %get3A_773 = arith.constant 96 : index
      %get3A_774 = tpu.vector_load %arg31[%get3A_773] {strides = array<i32>} : memref<128xi32, #tpu.memory_space<vmem>>, vector<16xi32>,
      %get3A_775 = vector.shape_cast %get3A_774 : vector<16xi32> to vector<16xi32>
      %mul3A_776 = arith.constant 69 : i32
      %mul3A_777 = vector.broadcast %mul3A_776 : i32 to vector<16xi32>
      %mul3A_778 = arith.muli %get3A_775, %mul3A_777 : vector<16xi32>
      %get3A_779 = arith.constant 96 : index
      %get3A_780 = tpu.vector_load %arg32[%get3A_779] {strides = array<i32>} : memref<128xi32, #tpu.memory_space<vmem>>, vector<16xi32>,
      %get3A_781 = vector.shape_cast %get3A_780 : vector<16xi32> to vector<16xi32>
      %mul3A_782 = arith.constant 3 : i32
      %mul3A_783 = vector.broadcast %mul3A_782 : i32 to vector<16xi32>
      %mul3A_784 = arith.muli %get3A_781, %mul3A_783 : vector<16xi32>
      %add3A_785 = arith.addi %mul3A_778, %mul3A_784 : vector<16xi32>
      %get3A_786 = arith.constant 96 : index
      %get3A_787 = tpu.vector_load %arg33[%get3A_786] {strides = array<i32>} : memref<128xi32, #tpu.memory_space<vmem>>, vector<16xi32>,
      %get3A_788 = vector.shape_cast %get3A_787 : vector<16xi32> to vector<16xi32>
      %add3A_789 = arith.addi %add3A_785, %get3A_788 : vector<16xi32>
      %swap3A_790 = arith.constant 96 : index
      %swap3A_791 = tpu.vector_load %arg34[%swap3A_790] {strides = array<i32>} : memref<128xi32, #tpu.memory_space<vmem>>, vector<16xi32>,
      %swap3A_792 = vector.shape_cast %swap3A_791 : vector<16xi32> to vector<16xi32>
      %swap3A_793 = vector.shape_cast %add3A_789 : vector<16xi32> to vector<16xi32>
      tpu.vector_store %arg34[%swap3A_790], %swap3A_793 {strides = array<i32>} : memref<128xi32, #tpu.memory_space<vmem>>, vector<16xi32>,
      %get3A_794 = arith.constant 112 : index
      %get3A_795 = tpu.vector_load %arg31[%get3A_794] {strides = array<i32>} : memref<128xi32, #tpu.memory_space<vmem>>, vector<16xi32>,
      %get3A_796 = vector.shape_cast %get3A_795 : vector<16xi32> to vector<16xi32>
      %mul3A_797 = arith.constant 69 : i32
      %mul3A_798 = vector.broadcast %mul3A_797 : i32 to vector<16xi32>
      %mul3A_799 = arith.muli %get3A_796, %mul3A_798 : vector<16xi32>
      %get3A_800 = arith.constant 112 : index
      %get3A_801 = tpu.vector_load %arg32[%get3A_800] {strides = array<i32>} : memref<128xi32, #tpu.memory_space<vmem>>, vector<16xi32>,
      %get3A_802 = vector.shape_cast %get3A_801 : vector<16xi32> to vector<16xi32>
      %mul3A_803 = arith.constant 3 : i32
      %mul3A_804 = vector.broadcast %mul3A_803 : i32 to vector<16xi32>
      %mul3A_805 = arith.muli %get3A_802, %mul3A_804 : vector<16xi32>
      %add3A_806 = arith.addi %mul3A_799, %mul3A_805 : vector<16xi32>
      %get3A_807 = arith.constant 112 : index
      %get3A_808 = tpu.vector_load %arg33[%get3A_807] {strides = array<i32>} : memref<128xi32, #tpu.memory_space<vmem>>, vector<16xi32>,
      %get3A_809 = vector.shape_cast %get3A_808 : vector<16xi32> to vector<16xi32>
      %add3A_810 = arith.addi %add3A_806, %get3A_809 : vector<16xi32>
      %swap3A_811 = arith.constant 112 : index
      %swap3A_812 = tpu.vector_load %arg34[%swap3A_811] {strides = array<i32>} : memref<128xi32, #tpu.memory_space<vmem>>, vector<16xi32>,
      %swap3A_813 = vector.shape_cast %swap3A_812 : vector<16xi32> to vector<16xi32>
      %swap3A_814 = vector.shape_cast %add3A_810 : vector<16xi32> to vector<16xi32>
      tpu.vector_store %arg34[%swap3A_811], %swap3A_814 {strides = array<i32>} : memref<128xi32, #tpu.memory_space<vmem>>, vector<16xi32>,
      %gt3A_815 = arith.constant 0 : i32
      %gt3A_816 = arith.cmpi sgt, %scan3A_75, %gt3A_815 : i32
      %convert_element_type3A_817 = arith.extui %gt3A_816 : i1 to i32
      %cond3A_818 = arith.constant 0 : i32
      %cond3A_819 = arith.cmpi ne, %convert_element_type3A_817, %cond3A_818 : i32
      scf.if %cond3A_819 {
        %dma_wait3A_913 = arith.constant 0 : i32
        %dma_wait3A_914 = arith.constant 0 : i32
        %dma_wait3A_915 = tpu.memref_slice %arg6[%dma_wait3A_913, %dma_wait3A_914] : memref<800000x64xf32, #tpu.memory_space<hbm>> -> memref<128x64xf32, #tpu.memory_space<hbm>>
        %dma_wait3A_916 = arith.constant 0 : i32
        %dma_wait3A_917 = arith.constant 0 : i32
        %dma_wait3A_918 = tpu.memref_slice %arg6[%dma_wait3A_916, %dma_wait3A_917] : memref<800000x64xf32, #tpu.memory_space<hbm>> -> memref<128x64xf32, #tpu.memory_space<hbm>>
        tpu.wait_dma2 semaphore(%arg38 : memref<!tpu.dma_semaphore, #tpu.memory_space<semaphore_mem>>) src(%arg35 : memref<128x64xf32, #tpu.memory_space<vmem>>) dst(%dma_wait3A_918 : memref<128x64xf32, #tpu.memory_space<hbm>>)
      } else {
      }
      %dma_start3A_820 = arith.constant 0 : i32
      %dma_start3A_821 = arith.constant 0 : i32
      %dma_start3A_822 = tpu.memref_slice %arg5[%dma_start3A_820, %dma_start3A_821] : memref<552x64xf32, #tpu.memory_space<hbm>> -> memref<552x64xf32, #tpu.memory_space<hbm>>
      tpu.enqueue_indirect_dma source(%dma_start3A_822 : memref<552x64xf32, #tpu.memory_space<hbm>>) target(%arg35 : memref<128x64xf32, #tpu.memory_space<vmem>>) offsets(%arg34 : memref<128xi32, #tpu.memory_space<vmem>>) semaphore(%arg37 : memref<!tpu.dma_semaphore, #tpu.memory_space<semaphore_mem>>)
      %add3A_823 = arith.constant 1 : i32
      %add3A_824 = arith.addi %scan3A_75, %add3A_823 : i32
      %lt3A = arith.constant 49 : i32
      %lt3A_825 = arith.cmpi slt, %add3A_824, %lt3A : i32
      %convert_element_type3A_826 = arith.extui %lt3A_825 : i1 to i32
      %cond3A_827 = arith.constant 0 : i32
      %cond3A_828 = arith.cmpi ne, %convert_element_type3A_826, %cond3A_827 : i32
      scf.if %cond3A_828 {
        %add3A_913 = arith.constant 1 : i32
        %add3A_914 = arith.addi %scan3A_75, %add3A_913 : i32
        %mul3A_915 = arith.constant 4 : i32
        %mul3A_916 = arith.muli %add3A_914, %mul3A_915 : i32
        %add3A_917 = arith.constant 0 : i32
        %add3A_918 = arith.addi %mul3A_916, %add3A_917 : i32
        %mul3A_919 = arith.constant 32 : i32
        %mul3A_920 = arith.muli %add3A_918, %mul3A_919 : i32
        %add3A_921 = arith.addi %mul3A_920, %add3A : i32
        %min3A_922 = arith.constant 6249 : i32
        %min3A_923 = arith.minsi %add3A_921, %min3A_922 : i32
        %mul3A_924 = arith.constant 128 : i32
        %mul3A_925 = arith.muli %min3A_923, %mul3A_924 : i32
        %dma_start3A_926 = tpu.memref_slice %arg2[%mul3A_925] : memref<800000xi32, #tpu.memory_space<hbm>> -> memref<128xi32, #tpu.memory_space<hbm>>
        %dma_start3A_927 = tpu.memref_slice %arg2[%mul3A_925] : memref<800000xi32, #tpu.memory_space<hbm>> -> memref<128xi32, #tpu.memory_space<hbm>>
        tpu.enqueue_dma source(%dma_start3A_927 : memref<128xi32, #tpu.memory_space<hbm>>) target(%arg7 : memref<128xi32, #tpu.memory_space<vmem>>) target_semaphore(%arg12 : memref<!tpu.dma_semaphore, #tpu.memory_space<semaphore_mem>>)
        %dma_start3A_928 = tpu.memref_slice %arg3[%mul3A_925] : memref<800000xi32, #tpu.memory_space<hbm>> -> memref<128xi32, #tpu.memory_space<hbm>>
        %dma_start3A_929 = tpu.memref_slice %arg3[%mul3A_925] : memref<800000xi32, #tpu.memory_space<hbm>> -> memref<128xi32, #tpu.memory_space<hbm>>
        tpu.enqueue_dma source(%dma_start3A_929 : memref<128xi32, #tpu.memory_space<hbm>>) target(%arg8 : memref<128xi32, #tpu.memory_space<vmem>>) target_semaphore(%arg12 : memref<!tpu.dma_semaphore, #tpu.memory_space<semaphore_mem>>)
        %dma_start3A_930 = tpu.memref_slice %arg4[%mul3A_925] : memref<800000xi32, #tpu.memory_space<hbm>> -> memref<128xi32, #tpu.memory_space<hbm>>
        %dma_start3A_931 = tpu.memref_slice %arg4[%mul3A_925] : memref<800000xi32, #tpu.memory_space<hbm>> -> memref<128xi32, #tpu.memory_space<hbm>>
        tpu.enqueue_dma source(%dma_start3A_931 : memref<128xi32, #tpu.memory_space<hbm>>) target(%arg9 : memref<128xi32, #tpu.memory_space<vmem>>) target_semaphore(%arg12 : memref<!tpu.dma_semaphore, #tpu.memory_space<semaphore_mem>>)
        %add3A_932 = arith.constant 1 : i32
        %add3A_933 = arith.addi %scan3A_75, %add3A_932 : i32
        %mul3A_934 = arith.constant 4 : i32
        %mul3A_935 = arith.muli %add3A_933, %mul3A_934 : i32
        %add3A_936 = arith.constant 1 : i32
        %add3A_937 = arith.addi %mul3A_935, %add3A_936 : i32
        %mul3A_938 = arith.constant 32 : i32
        %mul3A_939 = arith.muli %add3A_937, %mul3A_938 : i32
        %add3A_940 = arith.addi %mul3A_939, %add3A : i32
        %min3A_941 = arith.constant 6249 : i32
        %min3A_942 = arith.minsi %add3A_940, %min3A_941 : i32
        %mul3A_943 = arith.constant 128 : i32
        %mul3A_944 = arith.muli %min3A_942, %mul3A_943 : i32
        %dma_start3A_945 = tpu.memref_slice %arg2[%mul3A_944] : memref<800000xi32, #tpu.memory_space<hbm>> -> memref<128xi32, #tpu.memory_space<hbm>>
        %dma_start3A_946 = tpu.memref_slice %arg2[%mul3A_944] : memref<800000xi32, #tpu.memory_space<hbm>> -> memref<128xi32, #tpu.memory_space<hbm>>
        tpu.enqueue_dma source(%dma_start3A_946 : memref<128xi32, #tpu.memory_space<hbm>>) target(%arg15 : memref<128xi32, #tpu.memory_space<vmem>>) target_semaphore(%arg20 : memref<!tpu.dma_semaphore, #tpu.memory_space<semaphore_mem>>)
        %dma_start3A_947 = tpu.memref_slice %arg3[%mul3A_944] : memref<800000xi32, #tpu.memory_space<hbm>> -> memref<128xi32, #tpu.memory_space<hbm>>
        %dma_start3A_948 = tpu.memref_slice %arg3[%mul3A_944] : memref<800000xi32, #tpu.memory_space<hbm>> -> memref<128xi32, #tpu.memory_space<hbm>>
        tpu.enqueue_dma source(%dma_start3A_948 : memref<128xi32, #tpu.memory_space<hbm>>) target(%arg16 : memref<128xi32, #tpu.memory_space<vmem>>) target_semaphore(%arg20 : memref<!tpu.dma_semaphore, #tpu.memory_space<semaphore_mem>>)
        %dma_start3A_949 = tpu.memref_slice %arg4[%mul3A_944] : memref<800000xi32, #tpu.memory_space<hbm>> -> memref<128xi32, #tpu.memory_space<hbm>>
        %dma_start3A_950 = tpu.memref_slice %arg4[%mul3A_944] : memref<800000xi32, #tpu.memory_space<hbm>> -> memref<128xi32, #tpu.memory_space<hbm>>
        tpu.enqueue_dma source(%dma_start3A_950 : memref<128xi32, #tpu.memory_space<hbm>>) target(%arg17 : memref<128xi32, #tpu.memory_space<vmem>>) target_semaphore(%arg20 : memref<!tpu.dma_semaphore, #tpu.memory_space<semaphore_mem>>)
        %add3A_951 = arith.constant 1 : i32
        %add3A_952 = arith.addi %scan3A_75, %add3A_951 : i32
        %mul3A_953 = arith.constant 4 : i32
        %mul3A_954 = arith.muli %add3A_952, %mul3A_953 : i32
        %add3A_955 = arith.constant 2 : i32
        %add3A_956 = arith.addi %mul3A_954, %add3A_955 : i32
        %mul3A_957 = arith.constant 32 : i32
        %mul3A_958 = arith.muli %add3A_956, %mul3A_957 : i32
        %add3A_959 = arith.addi %mul3A_958, %add3A : i32
        %min3A_960 = arith.constant 6249 : i32
        %min3A_961 = arith.minsi %add3A_959, %min3A_960 : i32
        %mul3A_962 = arith.constant 128 : i32
        %mul3A_963 = arith.muli %min3A_961, %mul3A_962 : i32
        %dma_start3A_964 = tpu.memref_slice %arg2[%mul3A_963] : memref<800000xi32, #tpu.memory_space<hbm>> -> memref<128xi32, #tpu.memory_space<hbm>>
        %dma_start3A_965 = tpu.memref_slice %arg2[%mul3A_963] : memref<800000xi32, #tpu.memory_space<hbm>> -> memref<128xi32, #tpu.memory_space<hbm>>
        tpu.enqueue_dma source(%dma_start3A_965 : memref<128xi32, #tpu.memory_space<hbm>>) target(%arg23 : memref<128xi32, #tpu.memory_space<vmem>>) target_semaphore(%arg28 : memref<!tpu.dma_semaphore, #tpu.memory_space<semaphore_mem>>)
        %dma_start3A_966 = tpu.memref_slice %arg3[%mul3A_963] : memref<800000xi32, #tpu.memory_space<hbm>> -> memref<128xi32, #tpu.memory_space<hbm>>
        %dma_start3A_967 = tpu.memref_slice %arg3[%mul3A_963] : memref<800000xi32, #tpu.memory_space<hbm>> -> memref<128xi32, #tpu.memory_space<hbm>>
        tpu.enqueue_dma source(%dma_start3A_967 : memref<128xi32, #tpu.memory_space<hbm>>) target(%arg24 : memref<128xi32, #tpu.memory_space<vmem>>) target_semaphore(%arg28 : memref<!tpu.dma_semaphore, #tpu.memory_space<semaphore_mem>>)
        %dma_start3A_968 = tpu.memref_slice %arg4[%mul3A_963] : memref<800000xi32, #tpu.memory_space<hbm>> -> memref<128xi32, #tpu.memory_space<hbm>>
        %dma_start3A_969 = tpu.memref_slice %arg4[%mul3A_963] : memref<800000xi32, #tpu.memory_space<hbm>> -> memref<128xi32, #tpu.memory_space<hbm>>
        tpu.enqueue_dma source(%dma_start3A_969 : memref<128xi32, #tpu.memory_space<hbm>>) target(%arg25 : memref<128xi32, #tpu.memory_space<vmem>>) target_semaphore(%arg28 : memref<!tpu.dma_semaphore, #tpu.memory_space<semaphore_mem>>)
        %add3A_970 = arith.constant 1 : i32
        %add3A_971 = arith.addi %scan3A_75, %add3A_970 : i32
        %mul3A_972 = arith.constant 4 : i32
        %mul3A_973 = arith.muli %add3A_971, %mul3A_972 : i32
        %add3A_974 = arith.constant 3 : i32
        %add3A_975 = arith.addi %mul3A_973, %add3A_974 : i32
        %mul3A_976 = arith.constant 32 : i32
        %mul3A_977 = arith.muli %add3A_975, %mul3A_976 : i32
        %add3A_978 = arith.addi %mul3A_977, %add3A : i32
        %min3A_979 = arith.constant 6249 : i32
        %min3A_980 = arith.minsi %add3A_978, %min3A_979 : i32
        %mul3A_981 = arith.constant 128 : i32
        %mul3A_982 = arith.muli %min3A_980, %mul3A_981 : i32
        %dma_start3A_983 = tpu.memref_slice %arg2[%mul3A_982] : memref<800000xi32, #tpu.memory_space<hbm>> -> memref<128xi32, #tpu.memory_space<hbm>>
        %dma_start3A_984 = tpu.memref_slice %arg2[%mul3A_982] : memref<800000xi32, #tpu.memory_space<hbm>> -> memref<128xi32, #tpu.memory_space<hbm>>
        tpu.enqueue_dma source(%dma_start3A_984 : memref<128xi32, #tpu.memory_space<hbm>>) target(%arg31 : memref<128xi32, #tpu.memory_space<vmem>>) target_semaphore(%arg36 : memref<!tpu.dma_semaphore, #tpu.memory_space<semaphore_mem>>)
        %dma_start3A_985 = tpu.memref_slice %arg3[%mul3A_982] : memref<800000xi32, #tpu.memory_space<hbm>> -> memref<128xi32, #tpu.memory_space<hbm>>
        %dma_start3A_986 = tpu.memref_slice %arg3[%mul3A_982] : memref<800000xi32, #tpu.memory_space<hbm>> -> memref<128xi32, #tpu.memory_space<hbm>>
        tpu.enqueue_dma source(%dma_start3A_986 : memref<128xi32, #tpu.memory_space<hbm>>) target(%arg32 : memref<128xi32, #tpu.memory_space<vmem>>) target_semaphore(%arg36 : memref<!tpu.dma_semaphore, #tpu.memory_space<semaphore_mem>>)
        %dma_start3A_987 = tpu.memref_slice %arg4[%mul3A_982] : memref<800000xi32, #tpu.memory_space<hbm>> -> memref<128xi32, #tpu.memory_space<hbm>>
        %dma_start3A_988 = tpu.memref_slice %arg4[%mul3A_982] : memref<800000xi32, #tpu.memory_space<hbm>> -> memref<128xi32, #tpu.memory_space<hbm>>
        tpu.enqueue_dma source(%dma_start3A_988 : memref<128xi32, #tpu.memory_space<hbm>>) target(%arg33 : memref<128xi32, #tpu.memory_space<vmem>>) target_semaphore(%arg36 : memref<!tpu.dma_semaphore, #tpu.memory_space<semaphore_mem>>)
      } else {
      }
      %dma_wait3A_829 = arith.constant 0 : i32
      %dma_wait3A_830 = arith.constant 0 : i32
      %dma_wait3A_831 = tpu.memref_slice %arg5[%dma_wait3A_829, %dma_wait3A_830] : memref<552x64xf32, #tpu.memory_space<hbm>> -> memref<128x64xf32, #tpu.memory_space<hbm>>
      %dma_wait3A_832 = arith.constant 0 : i32
      %dma_wait3A_833 = arith.constant 0 : i32
      %dma_wait3A_834 = tpu.memref_slice %arg5[%dma_wait3A_832, %dma_wait3A_833] : memref<552x64xf32, #tpu.memory_space<hbm>> -> memref<128x64xf32, #tpu.memory_space<hbm>>
      tpu.wait_dma2 semaphore(%arg13 : memref<!tpu.dma_semaphore, #tpu.memory_space<semaphore_mem>>) src(%dma_wait3A_834 : memref<128x64xf32, #tpu.memory_space<hbm>>) dst(%arg11 : memref<128x64xf32, #tpu.memory_space<vmem>>)
      %mul3A_835 = arith.constant 4 : i32
      %mul3A_836 = arith.muli %scan3A_75, %mul3A_835 : i32
      %add3A_837 = arith.constant 0 : i32
      %add3A_838 = arith.addi %mul3A_836, %add3A_837 : i32
      %mul3A_839 = arith.constant 32 : i32
      %mul3A_840 = arith.muli %add3A_838, %mul3A_839 : i32
      %add3A_841 = arith.addi %mul3A_840, %add3A : i32
      %min3A_842 = arith.constant 6249 : i32
      %min3A_843 = arith.minsi %add3A_841, %min3A_842 : i32
      %mul3A_844 = arith.constant 128 : i32
      %mul3A_845 = arith.muli %min3A_843, %mul3A_844 : i32
      %dma_start3A_846 = arith.constant 0 : i32
      %dma_start3A_847 = tpu.memref_slice %arg6[%mul3A_845, %dma_start3A_846] : memref<800000x64xf32, #tpu.memory_space<hbm>> -> memref<128x64xf32, #tpu.memory_space<hbm>>
      %dma_start3A_848 = arith.constant 0 : i32
      %dma_start3A_849 = tpu.memref_slice %arg6[%mul3A_845, %dma_start3A_848] : memref<800000x64xf32, #tpu.memory_space<hbm>> -> memref<128x64xf32, #tpu.memory_space<hbm>>
      tpu.enqueue_dma source(%arg11 : memref<128x64xf32, #tpu.memory_space<vmem>>) target(%dma_start3A_849 : memref<128x64xf32, #tpu.memory_space<hbm>>) target_semaphore(%arg14 : memref<!tpu.dma_semaphore, #tpu.memory_space<semaphore_mem>>)
      %dma_wait3A_850 = arith.constant 0 : i32
      %dma_wait3A_851 = arith.constant 0 : i32
      %dma_wait3A_852 = tpu.memref_slice %arg5[%dma_wait3A_850, %dma_wait3A_851] : memref<552x64xf32, #tpu.memory_space<hbm>> -> memref<128x64xf32, #tpu.memory_space<hbm>>
      %dma_wait3A_853 = arith.constant 0 : i32
      %dma_wait3A_854 = arith.constant 0 : i32
      %dma_wait3A_855 = tpu.memref_slice %arg5[%dma_wait3A_853, %dma_wait3A_854] : memref<552x64xf32, #tpu.memory_space<hbm>> -> memref<128x64xf32, #tpu.memory_space<hbm>>
      tpu.wait_dma2 semaphore(%arg21 : memref<!tpu.dma_semaphore, #tpu.memory_space<semaphore_mem>>) src(%dma_wait3A_855 : memref<128x64xf32, #tpu.memory_space<hbm>>) dst(%arg19 : memref<128x64xf32, #tpu.memory_space<vmem>>)
      %mul3A_856 = arith.constant 4 : i32
      %mul3A_857 = arith.muli %scan3A_75, %mul3A_856 : i32
      %add3A_858 = arith.constant 1 : i32
      %add3A_859 = arith.addi %mul3A_857, %add3A_858 : i32
      %mul3A_860 = arith.constant 32 : i32
      %mul3A_861 = arith.muli %add3A_859, %mul3A_860 : i32
      %add3A_862 = arith.addi %mul3A_861, %add3A : i32
      %min3A_863 = arith.constant 6249 : i32
      %min3A_864 = arith.minsi %add3A_862, %min3A_863 : i32
      %mul3A_865 = arith.constant 128 : i32
      %mul3A_866 = arith.muli %min3A_864, %mul3A_865 : i32
      %dma_start3A_867 = arith.constant 0 : i32
      %dma_start3A_868 = tpu.memref_slice %arg6[%mul3A_866, %dma_start3A_867] : memref<800000x64xf32, #tpu.memory_space<hbm>> -> memref<128x64xf32, #tpu.memory_space<hbm>>
      %dma_start3A_869 = arith.constant 0 : i32
      %dma_start3A_870 = tpu.memref_slice %arg6[%mul3A_866, %dma_start3A_869] : memref<800000x64xf32, #tpu.memory_space<hbm>> -> memref<128x64xf32, #tpu.memory_space<hbm>>
      tpu.enqueue_dma source(%arg19 : memref<128x64xf32, #tpu.memory_space<vmem>>) target(%dma_start3A_870 : memref<128x64xf32, #tpu.memory_space<hbm>>) target_semaphore(%arg22 : memref<!tpu.dma_semaphore, #tpu.memory_space<semaphore_mem>>)
      %dma_wait3A_871 = arith.constant 0 : i32
      %dma_wait3A_872 = arith.constant 0 : i32
      %dma_wait3A_873 = tpu.memref_slice %arg5[%dma_wait3A_871, %dma_wait3A_872] : memref<552x64xf32, #tpu.memory_space<hbm>> -> memref<128x64xf32, #tpu.memory_space<hbm>>
      %dma_wait3A_874 = arith.constant 0 : i32
      %dma_wait3A_875 = arith.constant 0 : i32
      %dma_wait3A_876 = tpu.memref_slice %arg5[%dma_wait3A_874, %dma_wait3A_875] : memref<552x64xf32, #tpu.memory_space<hbm>> -> memref<128x64xf32, #tpu.memory_space<hbm>>
      tpu.wait_dma2 semaphore(%arg29 : memref<!tpu.dma_semaphore, #tpu.memory_space<semaphore_mem>>) src(%dma_wait3A_876 : memref<128x64xf32, #tpu.memory_space<hbm>>) dst(%arg27 : memref<128x64xf32, #tpu.memory_space<vmem>>)
      %mul3A_877 = arith.constant 4 : i32
      %mul3A_878 = arith.muli %scan3A_75, %mul3A_877 : i32
      %add3A_879 = arith.constant 2 : i32
      %add3A_880 = arith.addi %mul3A_878, %add3A_879 : i32
      %mul3A_881 = arith.constant 32 : i32
      %mul3A_882 = arith.muli %add3A_880, %mul3A_881 : i32
      %add3A_883 = arith.addi %mul3A_882, %add3A : i32
      %min3A_884 = arith.constant 6249 : i32
      %min3A_885 = arith.minsi %add3A_883, %min3A_884 : i32
      %mul3A_886 = arith.constant 128 : i32
      %mul3A_887 = arith.muli %min3A_885, %mul3A_886 : i32
      %dma_start3A_888 = arith.constant 0 : i32
      %dma_start3A_889 = tpu.memref_slice %arg6[%mul3A_887, %dma_start3A_888] : memref<800000x64xf32, #tpu.memory_space<hbm>> -> memref<128x64xf32, #tpu.memory_space<hbm>>
      %dma_start3A_890 = arith.constant 0 : i32
      %dma_start3A_891 = tpu.memref_slice %arg6[%mul3A_887, %dma_start3A_890] : memref<800000x64xf32, #tpu.memory_space<hbm>> -> memref<128x64xf32, #tpu.memory_space<hbm>>
      tpu.enqueue_dma source(%arg27 : memref<128x64xf32, #tpu.memory_space<vmem>>) target(%dma_start3A_891 : memref<128x64xf32, #tpu.memory_space<hbm>>) target_semaphore(%arg30 : memref<!tpu.dma_semaphore, #tpu.memory_space<semaphore_mem>>)
      %dma_wait3A_892 = arith.constant 0 : i32
      %dma_wait3A_893 = arith.constant 0 : i32
      %dma_wait3A_894 = tpu.memref_slice %arg5[%dma_wait3A_892, %dma_wait3A_893] : memref<552x64xf32, #tpu.memory_space<hbm>> -> memref<128x64xf32, #tpu.memory_space<hbm>>
      %dma_wait3A_895 = arith.constant 0 : i32
      %dma_wait3A_896 = arith.constant 0 : i32
      %dma_wait3A_897 = tpu.memref_slice %arg5[%dma_wait3A_895, %dma_wait3A_896] : memref<552x64xf32, #tpu.memory_space<hbm>> -> memref<128x64xf32, #tpu.memory_space<hbm>>
      tpu.wait_dma2 semaphore(%arg37 : memref<!tpu.dma_semaphore, #tpu.memory_space<semaphore_mem>>) src(%dma_wait3A_897 : memref<128x64xf32, #tpu.memory_space<hbm>>) dst(%arg35 : memref<128x64xf32, #tpu.memory_space<vmem>>)
      %mul3A_898 = arith.constant 4 : i32
      %mul3A_899 = arith.muli %scan3A_75, %mul3A_898 : i32
      %add3A_900 = arith.constant 3 : i32
      %add3A_901 = arith.addi %mul3A_899, %add3A_900 : i32
      %mul3A_902 = arith.constant 32 : i32
      %mul3A_903 = arith.muli %add3A_901, %mul3A_902 : i32
      %add3A_904 = arith.addi %mul3A_903, %add3A : i32
      %min3A_905 = arith.constant 6249 : i32
      %min3A_906 = arith.minsi %add3A_904, %min3A_905 : i32
      %mul3A_907 = arith.constant 128 : i32
      %mul3A_908 = arith.muli %min3A_906, %mul3A_907 : i32
      %dma_start3A_909 = arith.constant 0 : i32
      %dma_start3A_910 = tpu.memref_slice %arg6[%mul3A_908, %dma_start3A_909] : memref<800000x64xf32, #tpu.memory_space<hbm>> -> memref<128x64xf32, #tpu.memory_space<hbm>>
      %dma_start3A_911 = arith.constant 0 : i32
      %dma_start3A_912 = tpu.memref_slice %arg6[%mul3A_908, %dma_start3A_911] : memref<800000x64xf32, #tpu.memory_space<hbm>> -> memref<128x64xf32, #tpu.memory_space<hbm>>
      tpu.enqueue_dma source(%arg35 : memref<128x64xf32, #tpu.memory_space<vmem>>) target(%dma_start3A_912 : memref<128x64xf32, #tpu.memory_space<hbm>>) target_semaphore(%arg38 : memref<!tpu.dma_semaphore, #tpu.memory_space<semaphore_mem>>)
    }
    %scan3A_51 = arith.constant 49 : i32
    %dma_wait3A = arith.constant 0 : i32
    %dma_wait3A_52 = arith.constant 0 : i32
    %dma_wait3A_53 = tpu.memref_slice %arg6[%dma_wait3A, %dma_wait3A_52] : memref<800000x64xf32, #tpu.memory_space<hbm>> -> memref<128x64xf32, #tpu.memory_space<hbm>>
    %dma_wait3A_54 = arith.constant 0 : i32
    %dma_wait3A_55 = arith.constant 0 : i32
    %dma_wait3A_56 = tpu.memref_slice %arg6[%dma_wait3A_54, %dma_wait3A_55] : memref<800000x64xf32, #tpu.memory_space<hbm>> -> memref<128x64xf32, #tpu.memory_space<hbm>>
    tpu.wait_dma2 semaphore(%arg14 : memref<!tpu.dma_semaphore, #tpu.memory_space<semaphore_mem>>) src(%arg11 : memref<128x64xf32, #tpu.memory_space<vmem>>) dst(%dma_wait3A_56 : memref<128x64xf32, #tpu.memory_space<hbm>>)
    %dma_wait3A_57 = arith.constant 0 : i32
    %dma_wait3A_58 = arith.constant 0 : i32
    %dma_wait3A_59 = tpu.memref_slice %arg6[%dma_wait3A_57, %dma_wait3A_58] : memref<800000x64xf32, #tpu.memory_space<hbm>> -> memref<128x64xf32, #tpu.memory_space<hbm>>
    %dma_wait3A_60 = arith.constant 0 : i32
    %dma_wait3A_61 = arith.constant 0 : i32
    %dma_wait3A_62 = tpu.memref_slice %arg6[%dma_wait3A_60, %dma_wait3A_61] : memref<800000x64xf32, #tpu.memory_space<hbm>> -> memref<128x64xf32, #tpu.memory_space<hbm>>
    tpu.wait_dma2 semaphore(%arg22 : memref<!tpu.dma_semaphore, #tpu.memory_space<semaphore_mem>>) src(%arg19 : memref<128x64xf32, #tpu.memory_space<vmem>>) dst(%dma_wait3A_62 : memref<128x64xf32, #tpu.memory_space<hbm>>)
    %dma_wait3A_63 = arith.constant 0 : i32
    %dma_wait3A_64 = arith.constant 0 : i32
    %dma_wait3A_65 = tpu.memref_slice %arg6[%dma_wait3A_63, %dma_wait3A_64] : memref<800000x64xf32, #tpu.memory_space<hbm>> -> memref<128x64xf32, #tpu.memory_space<hbm>>
    %dma_wait3A_66 = arith.constant 0 : i32
    %dma_wait3A_67 = arith.constant 0 : i32
    %dma_wait3A_68 = tpu.memref_slice %arg6[%dma_wait3A_66, %dma_wait3A_67] : memref<800000x64xf32, #tpu.memory_space<hbm>> -> memref<128x64xf32, #tpu.memory_space<hbm>>
    tpu.wait_dma2 semaphore(%arg30 : memref<!tpu.dma_semaphore, #tpu.memory_space<semaphore_mem>>) src(%arg27 : memref<128x64xf32, #tpu.memory_space<vmem>>) dst(%dma_wait3A_68 : memref<128x64xf32, #tpu.memory_space<hbm>>)
    %dma_wait3A_69 = arith.constant 0 : i32
    %dma_wait3A_70 = arith.constant 0 : i32
    %dma_wait3A_71 = tpu.memref_slice %arg6[%dma_wait3A_69, %dma_wait3A_70] : memref<800000x64xf32, #tpu.memory_space<hbm>> -> memref<128x64xf32, #tpu.memory_space<hbm>>
    %dma_wait3A_72 = arith.constant 0 : i32
    %dma_wait3A_73 = arith.constant 0 : i32
    %dma_wait3A_74 = tpu.memref_slice %arg6[%dma_wait3A_72, %dma_wait3A_73] : memref<800000x64xf32, #tpu.memory_space<hbm>> -> memref<128x64xf32, #tpu.memory_space<hbm>>
    tpu.wait_dma2 semaphore(%arg38 : memref<!tpu.dma_semaphore, #tpu.memory_space<semaphore_mem>>) src(%arg35 : memref<128x64xf32, #tpu.memory_space<vmem>>) dst(%dma_wait3A_74 : memref<128x64xf32, #tpu.memory_space<hbm>>)
    return
  }
}

module attributes {stable_mosaic.version = 14 : i64} {
  func.func @_table_body(%arg0: memref<8x64xf32, #tpu.memory_space<vmem>>, %arg1: memref<23x64xf32, #tpu.memory_space<vmem>>, %arg2: memref<3x64xf32, #tpu.memory_space<vmem>>, %arg3: memref<552x64xf32, #tpu.memory_space<vmem>>) attributes {dimension_semantics = [], scalar_prefetch = 0 : i64, scratch_operands = 0 : i64, tpu.core_type = #tpu.core_type<tc>} {
    %iota3A = tpu.iota {dimensions = array<i32: 0>} : vector<552x8xi32>
    %jit3A = arith.constant 69 : i32
    %div3A = vector.broadcast %jit3A : i32 to vector<552x8xi32>
    %div3A_0 = arith.divsi %iota3A, %div3A : vector<552x8xi32>
    %sign3A = arith.constant 0 : i32
    %sign3A_1 = vector.broadcast %sign3A : i32 to vector<552x8xi32>
    %sign3A_2 = arith.cmpi sgt, %iota3A, %sign3A_1 : vector<552x8xi32>
    %sign3A_3 = arith.extui %sign3A_2 : vector<552x8xi1> to vector<552x8xi32>
    %sign3A_4 = arith.constant 0 : i32
    %sign3A_5 = vector.broadcast %sign3A_4 : i32 to vector<552x8xi32>
    %sign3A_6 = arith.cmpi slt, %iota3A, %sign3A_5 : vector<552x8xi32>
    %sign3A_7 = arith.extui %sign3A_6 : vector<552x8xi1> to vector<552x8xi32>
    %sign3A_8 = arith.subi %sign3A_3, %sign3A_7 : vector<552x8xi32>
    %sign3A_9 = arith.constant 0 : i32
    %sign3A_10 = arith.cmpi sgt, %jit3A, %sign3A_9 : i32
    %sign3A_11 = arith.extui %sign3A_10 : i1 to i32
    %sign3A_12 = arith.constant 0 : i32
    %sign3A_13 = arith.cmpi slt, %jit3A, %sign3A_12 : i32
    %sign3A_14 = arith.extui %sign3A_13 : i1 to i32
    %sign3A_15 = arith.subi %sign3A_11, %sign3A_14 : i32
    %ne3A = vector.broadcast %sign3A_15 : i32 to vector<552x8xi32>
    %ne3A_16 = arith.cmpi ne, %sign3A_8, %ne3A : vector<552x8xi32>
    %rem3A = vector.broadcast %jit3A : i32 to vector<552x8xi32>
    %rem3A_17 = arith.remsi %iota3A, %rem3A : vector<552x8xi32>
    %ne3A_18 = arith.constant 0 : i32
    %ne3A_19 = vector.broadcast %ne3A_18 : i32 to vector<552x8xi32>
    %ne3A_20 = arith.cmpi ne, %rem3A_17, %ne3A_19 : vector<552x8xi32>
    %and3A = arith.andi %ne3A_16, %ne3A_20 : vector<552x8xi1>
    %sub3A = arith.constant 1 : i32
    %sub3A_21 = vector.broadcast %sub3A : i32 to vector<552x8xi32>
    %sub3A_22 = arith.subi %div3A_0, %sub3A_21 : vector<552x8xi32>
    %select_n3A = arith.select %and3A, %sub3A_22, %div3A_0 : vector<552x8xi1>, vector<552x8xi32>
    %iota3A_23 = tpu.iota {dimensions = array<i32: 1>} : vector<552x8xi32>
    %eq3A = arith.cmpi eq, %select_n3A, %iota3A_23 : vector<552x8xi32>
    %convert_element_type3A = arith.extui %eq3A : vector<552x8xi1> to vector<552x8xi32>
    %convert_element_type3A_24 = arith.sitofp %convert_element_type3A : vector<552x8xi32> to vector<552x8xf32>
    %get3A = arith.constant 0 : index
    %get3A_25 = arith.constant 0 : index
    %get3A_26 = vector.load %arg0[%get3A, %get3A_25] : memref<8x64xf32, #tpu.memory_space<vmem>>, vector<8x64xf32>
    %dot_general3A = arith.constant dense<0.000000e+00> : vector<552x64xf32>
    %dot_general3A_27 = tpu.matmul %convert_element_type3A_24, %get3A_26, %dot_general3A {dimension_numbers = #tpu.dot_dimension_numbers<[1], [0], [0], [1], [0, 0, 1, 1], [], []>, precision = #tpu.contract_precision<fp32>, transpose_lhs_hint = false} : vector<552x8xf32>, vector<8x64xf32>, vector<552x64xf32> -> vector<552x64xf32>
    %iota3A_28 = tpu.iota {dimensions = array<i32: 0>} : vector<552x23xi32>
    %jit3A_29 = arith.constant 69 : i32
    %eq3A_30 = arith.constant 0 : i32
    %eq3A_31 = arith.cmpi eq, %jit3A_29, %eq3A_30 : i32
    %jit3A_32 = arith.constant 1 : i32
    %select_n3A_33 = arith.select %eq3A_31, %jit3A_32, %jit3A_29 : i32
    %rem3A_34 = vector.broadcast %select_n3A_33 : i32 to vector<552x23xi32>
    %rem3A_35 = arith.remsi %iota3A_28, %rem3A_34 : vector<552x23xi32>
    %ne3A_36 = arith.constant 0 : i32
    %ne3A_37 = vector.broadcast %ne3A_36 : i32 to vector<552x23xi32>
    %ne3A_38 = arith.cmpi ne, %rem3A_35, %ne3A_37 : vector<552x23xi32>
    %lt3A = arith.constant 0 : i32
    %lt3A_39 = vector.broadcast %lt3A : i32 to vector<552x23xi32>
    %lt3A_40 = arith.cmpi slt, %rem3A_35, %lt3A_39 : vector<552x23xi32>
    %lt3A_41 = arith.constant 0 : i32
    %lt3A_42 = arith.cmpi slt, %select_n3A_33, %lt3A_41 : i32
    %ne3A_43 = vector.broadcast %lt3A_42 : i1 to vector<552x23xi1>
    %ne3A_44 = vector.broadcast %ne3A_43 : vector<552x23xi1> to vector<552x23xi1>
    %ne3A_45 = arith.xori %lt3A_40, %ne3A_44 : vector<552x23xi1>
    %and3A_46 = arith.andi %ne3A_45, %ne3A_38 : vector<552x23xi1>
    %add3A = vector.broadcast %select_n3A_33 : i32 to vector<552x23xi32>
    %add3A_47 = arith.addi %rem3A_35, %add3A : vector<552x23xi32>
    %select_n3A_48 = arith.select %and3A_46, %add3A_47, %rem3A_35 : vector<552x23xi1>, vector<552x23xi32>
    %jit3A_49 = arith.constant 3 : i32
    %div3A_50 = vector.broadcast %jit3A_49 : i32 to vector<552x23xi32>
    %div3A_51 = arith.divsi %select_n3A_48, %div3A_50 : vector<552x23xi32>
    %sign3A_52 = arith.constant 0 : i32
    %sign3A_53 = vector.broadcast %sign3A_52 : i32 to vector<552x23xi32>
    %sign3A_54 = arith.cmpi sgt, %select_n3A_48, %sign3A_53 : vector<552x23xi32>
    %sign3A_55 = arith.extui %sign3A_54 : vector<552x23xi1> to vector<552x23xi32>
    %sign3A_56 = arith.constant 0 : i32
    %sign3A_57 = vector.broadcast %sign3A_56 : i32 to vector<552x23xi32>
    %sign3A_58 = arith.cmpi slt, %select_n3A_48, %sign3A_57 : vector<552x23xi32>
    %sign3A_59 = arith.extui %sign3A_58 : vector<552x23xi1> to vector<552x23xi32>
    %sign3A_60 = arith.subi %sign3A_55, %sign3A_59 : vector<552x23xi32>
    %sign3A_61 = arith.constant 0 : i32
    %sign3A_62 = arith.cmpi sgt, %jit3A_49, %sign3A_61 : i32
    %sign3A_63 = arith.extui %sign3A_62 : i1 to i32
    %sign3A_64 = arith.constant 0 : i32
    %sign3A_65 = arith.cmpi slt, %jit3A_49, %sign3A_64 : i32
    %sign3A_66 = arith.extui %sign3A_65 : i1 to i32
    %sign3A_67 = arith.subi %sign3A_63, %sign3A_66 : i32
    %ne3A_68 = vector.broadcast %sign3A_67 : i32 to vector<552x23xi32>
    %ne3A_69 = arith.cmpi ne, %sign3A_60, %ne3A_68 : vector<552x23xi32>
    %rem3A_70 = vector.broadcast %jit3A_49 : i32 to vector<552x23xi32>
    %rem3A_71 = arith.remsi %select_n3A_48, %rem3A_70 : vector<552x23xi32>
    %ne3A_72 = arith.constant 0 : i32
    %ne3A_73 = vector.broadcast %ne3A_72 : i32 to vector<552x23xi32>
    %ne3A_74 = arith.cmpi ne, %rem3A_71, %ne3A_73 : vector<552x23xi32>
    %and3A_75 = arith.andi %ne3A_69, %ne3A_74 : vector<552x23xi1>
    %sub3A_76 = arith.constant 1 : i32
    %sub3A_77 = vector.broadcast %sub3A_76 : i32 to vector<552x23xi32>
    %sub3A_78 = arith.subi %div3A_51, %sub3A_77 : vector<552x23xi32>
    %select_n3A_79 = arith.select %and3A_75, %sub3A_78, %div3A_51 : vector<552x23xi1>, vector<552x23xi32>
    %iota3A_80 = tpu.iota {dimensions = array<i32: 1>} : vector<552x23xi32>
    %eq3A_81 = arith.cmpi eq, %select_n3A_79, %iota3A_80 : vector<552x23xi32>
    %convert_element_type3A_82 = arith.extui %eq3A_81 : vector<552x23xi1> to vector<552x23xi32>
    %convert_element_type3A_83 = arith.sitofp %convert_element_type3A_82 : vector<552x23xi32> to vector<552x23xf32>
    %get3A_84 = arith.constant 0 : index
    %get3A_85 = arith.constant 0 : index
    %get3A_86 = vector.load %arg1[%get3A_84, %get3A_85] : memref<23x64xf32, #tpu.memory_space<vmem>>, vector<23x64xf32>
    %dot_general3A_87 = arith.constant dense<0.000000e+00> : vector<552x64xf32>
    %dot_general3A_88 = tpu.matmul %convert_element_type3A_83, %get3A_86, %dot_general3A_87 {dimension_numbers = #tpu.dot_dimension_numbers<[1], [0], [0], [1], [0, 0, 1, 1], [], []>, precision = #tpu.contract_precision<fp32>, transpose_lhs_hint = false} : vector<552x23xf32>, vector<23x64xf32>, vector<552x64xf32> -> vector<552x64xf32>
    %add3A_89 = arith.addf %dot_general3A_27, %dot_general3A_88 : vector<552x64xf32>
    %iota3A_90 = tpu.iota {dimensions = array<i32: 0>} : vector<552x3xi32>
    %jit3A_91 = arith.constant 3 : i32
    %eq3A_92 = arith.constant 0 : i32
    %eq3A_93 = arith.cmpi eq, %jit3A_91, %eq3A_92 : i32
    %jit3A_94 = arith.constant 1 : i32
    %select_n3A_95 = arith.select %eq3A_93, %jit3A_94, %jit3A_91 : i32
    %rem3A_96 = vector.broadcast %select_n3A_95 : i32 to vector<552x3xi32>
    %rem3A_97 = arith.remsi %iota3A_90, %rem3A_96 : vector<552x3xi32>
    %ne3A_98 = arith.constant 0 : i32
    %ne3A_99 = vector.broadcast %ne3A_98 : i32 to vector<552x3xi32>
    %ne3A_100 = arith.cmpi ne, %rem3A_97, %ne3A_99 : vector<552x3xi32>
    %lt3A_101 = arith.constant 0 : i32
    %lt3A_102 = vector.broadcast %lt3A_101 : i32 to vector<552x3xi32>
    %lt3A_103 = arith.cmpi slt, %rem3A_97, %lt3A_102 : vector<552x3xi32>
    %lt3A_104 = arith.constant 0 : i32
    %lt3A_105 = arith.cmpi slt, %select_n3A_95, %lt3A_104 : i32
    %ne3A_106 = vector.broadcast %lt3A_105 : i1 to vector<552x3xi1>
    %ne3A_107 = vector.broadcast %ne3A_106 : vector<552x3xi1> to vector<552x3xi1>
    %ne3A_108 = arith.xori %lt3A_103, %ne3A_107 : vector<552x3xi1>
    %and3A_109 = arith.andi %ne3A_108, %ne3A_100 : vector<552x3xi1>
    %add3A_110 = vector.broadcast %select_n3A_95 : i32 to vector<552x3xi32>
    %add3A_111 = arith.addi %rem3A_97, %add3A_110 : vector<552x3xi32>
    %select_n3A_112 = arith.select %and3A_109, %add3A_111, %rem3A_97 : vector<552x3xi1>, vector<552x3xi32>
    %iota3A_113 = tpu.iota {dimensions = array<i32: 1>} : vector<552x3xi32>
    %eq3A_114 = arith.cmpi eq, %select_n3A_112, %iota3A_113 : vector<552x3xi32>
    %convert_element_type3A_115 = arith.extui %eq3A_114 : vector<552x3xi1> to vector<552x3xi32>
    %convert_element_type3A_116 = arith.sitofp %convert_element_type3A_115 : vector<552x3xi32> to vector<552x3xf32>
    %get3A_117 = arith.constant 0 : index
    %get3A_118 = arith.constant 0 : index
    %get3A_119 = vector.load %arg2[%get3A_117, %get3A_118] : memref<3x64xf32, #tpu.memory_space<vmem>>, vector<3x64xf32>
    %dot_general3A_120 = arith.constant dense<0.000000e+00> : vector<552x64xf32>
    %dot_general3A_121 = tpu.matmul %convert_element_type3A_116, %get3A_119, %dot_general3A_120 {dimension_numbers = #tpu.dot_dimension_numbers<[1], [0], [0], [1], [0, 0, 1, 1], [], []>, precision = #tpu.contract_precision<fp32>, transpose_lhs_hint = false} : vector<552x3xf32>, vector<3x64xf32>, vector<552x64xf32> -> vector<552x64xf32>
    %add3A_122 = arith.addf %add3A_89, %dot_general3A_121 : vector<552x64xf32>
    %swap3A = arith.constant 0 : index
    %swap3A_123 = arith.constant 0 : index
    %swap3A_124 = vector.load %arg3[%swap3A, %swap3A_123] : memref<552x64xf32, #tpu.memory_space<vmem>>, vector<552x64xf32>
    tpu.vector_store %arg3[%swap3A, %swap3A_123], %add3A_122 {strides = array<i32>} : memref<552x64xf32, #tpu.memory_space<vmem>>, vector<552x64xf32>,
    return
  }
}

</mosaic_0001>

<sc_bundles>
// kernel: kernel.4.cloned.1.call-start
scs
__scs_entry_jumppad:
0x0: {  	(pc) =	sbr.rel $0x88, $3  }
0x1: {  	(tag) =	ssettag $0x0;
	lr =	simm.s32 $0x1  }
0x2: {  	[smem:$0x3F9B] =	sst lr;
	_ =	strace $0xD0000000  }
0x3: {  	_ = 	snop  }
0x4: {  	_ = 	snop  }
0x5: {  	_ = 	snop  }
0x6: {  	_ = 	snop  }
0x7: {  	_ = 	snop  }
__scs_overlays_trampoline_lowered:
0x8: {  	[smem:$0x3FAA] =	sst s0  }
0x9: {  	[smem:$0x3FAB] =	sst s1  }
0xa: {  	[smem:$0x3FAC] =	sst s2  }
0xb: {  	[smem:$0x3FAD] =	sst s3  }
0xc: {  	[smem:$0x3FAE] =	sst s4  }
0xd: {  	[smem:$0x3FAF] =	sst s5  }
0xe: {  	[smem:$0x3FB0] =	sst s6  }
0xf: {  	[smem:$0x3FB1] =	sst s7  }
0x10: {  	[smem:$0x3FB2] =	sst s8  }
0x11: {  	[smem:$0x3FB3] =	sst s9;
	s0 =	simm.s32 @!p0 $0x0  }
0x12: {  	s1 =	sld [smem:$0x3F99];
	s0 =	simm.s32 @p0 $0x1  }
0x13: {  	[smem:$0x3FB4] =	sst s0;
	s0 =	simm.s32 @!p1 $0x0  }
0x14: {  	s2 =	sld [smem:$0x3F98];
	s0 =	simm.s32 @p1 $0x1  }
0x15: {  	[smem:$0x3FB5] =	sst s0;
	s0 =	simm.s32 @!p2 $0x0  }
0x16: {  	s3 =	sld [smem:$0x3FDB];
	s0 =	simm.s32 @p2 $0x1  }
0x17: {  	s4 =	simm.s32 $0x1BF5;
	[smem:$0x3FB7] =	sst s0  }
0x18: {  	s0 =	sld [smem:$0x3F9A];
	_ =	swait.ge [sflag:s4], $0x0  }
0x19: {  	s7 =	sld [smem:$0x3F9B]  }
0x1a: {  	s8 =	sadd.s32 $0xFFFFE003, lr  }
0x1b: {  	s9 =	sadd.s32 $0xFFFFFEF7, lr;
	s5 =	simm.s32 $0xFFFFFFFF;
	p2 =	slt.u32 s8, $0xFFFFF086  }
0x1c: {  	p1 =	slt.u32 s9, $0xF7A;
	s5 =	simm.s32 @!p2 $0x0  }
0x1d: {  	s5 =	simm.s32 @p1 $0x1;
	p0 =	seq.s32 s7, s2  }
0x1e: {  	s7 =	smul.u32 @!p0 $0xF7A, s2;
	p2 =	seq.s32 @!p0 s5, $0x0  }
0x1f: {  	s9 =	smul.u32 $0xF7A, s1;
	s8 =	simm.s32 @!p0 $0x1BF5;
	p2 =	por !p2, p0  }
0x20: {  	[sflag:s8] =	ssyncset.s32 @!p0 $0xFFFFF086;
	s6 =	sadd.s32 @!p0 s3, s7;
	s7 =	simm.s32 @!p0 $0x108  }
0x21: {  	s3 =	sadd.s32 s3, s9;
	s6 =	sadd.s32 @!p0 $0x88, s6;
	s7 =	simm.s32 @p2 $0x1082  }
0x22: {  	[simem:s7], [sflag:s8] =	dma.local @!p0 [hbm:s6], $0xF7A  }
0x23: {  	s9 =	sor.u32 $0xD0000000, s2;
	s6 =	simm.s32 $0x108;
	_ =	swait.ge @!p0 [sflag:s8], $0x0  }
0x24: {  	s3 =	sadd.s32 $0x88, s3;
	s6 =	simm.s32 @!p1 $0x1082;
	[sflag:s4] =	ssyncset.s32 $0xFFFFF086  }
0x25: {  	[simem:s6], [sflag:s4] =	dma.local [hbm:s3], $0xF7A  }
0x26: {  	[smem:$0x3F9B] =	sst s1;
	(tag) =	ssettag s2;
	_ =	strace s9  }
0x27: {  	s1 =	sld [smem:$0x3FAB]  }
0x28: {  	s2 =	sld [smem:$0x3FAC]  }
0x29: {  	s4 =	sld [smem:$0x3FAE]  }
0x2a: {  	p0 =	seq.s32 s5, $0x0;
	s5 =	sld [smem:$0x3FAF]  }
0x2b: {  	s6 =	sld [smem:$0x3FB0]  }
0x2c: {  	s7 =	sld [smem:$0x3FB1]  }
0x2d: {  	s3 =	simm.s32 $0x108;
	s8 =	sld [smem:$0x3FB2]  }
0x2e: {  	s3 =	simm.s32 @!p0 $0x1082;
	s9 =	sld [smem:$0x3FB3]  }
0x2f: {  	lr =	sadd.s32 s0, s3;
	s0 =	sld [smem:$0x3FAA]  }
0x30: {  	s3 =	sld [smem:$0x3FAD]  }
0x31: {  	[smem:$0x3FB6] =	sst s10  }
0x32: {  	s10 =	sld [smem:$0x3FB4];
	_ =	sdelay $0x3  }
0x33: {  	p0 =	seq.s32 s10, $0x1;
	s10 =	sld [smem:$0x3FB6];
	_ =	sdelay $0x3  }
0x34: {  	[smem:$0x3FB6] =	sst s10  }
0x35: {  	s10 =	sld [smem:$0x3FB5];
	_ =	sdelay $0x3  }
0x36: {  	p1 =	seq.s32 s10, $0x1;
	s10 =	sld [smem:$0x3FB6];
	_ =	sdelay $0x3  }
0x37: {  	[smem:$0x3FB6] =	sst s10  }
0x38: {  	s10 =	sld [smem:$0x3FB7]  }
0x39: {  	_ = 	snop;
	(pc) =	sbr.ind lr, $3  }
0x3a: {  	_ = 	snop  }
0x3b: {  	_ = 	snop  }
0x3c: {  	p2 =	seq.s32 s10, $0x1;
	s10 =	sld [smem:$0x3FB6]  }
0x3d: {  	_ =	shalt  }
0x3e: {  	_ =	shalt  }
0x3f: {  	_ =	shalt  }
0x40: {  	_ =	shalt  }
0x41: {  	_ =	shalt  }
0x42: {  	_ =	shalt  }
0x43: {  	_ =	shalt  }
0x44: {  	_ =	shalt  }
0x45: {  	_ =	shalt  }
0x46: {  	_ =	shalt  }
0x47: {  	_ =	shalt  }
0x48: {  	_ =	shalt  }
0x49: {  	_ =	shalt  }
0x4a: {  	_ =	shalt  }
0x4b: {  	_ =	shalt  }
0x4c: {  	_ =	shalt  }
0x4d: {  	_ =	shalt  }
0x4e: {  	_ =	shalt  }
0x4f: {  	_ =	shalt  }
0x50: {  	_ =	shalt  }
0x51: {  	_ =	shalt  }
0x52: {  	_ =	shalt  }
0x53: {  	_ =	shalt  }
0x54: {  	_ =	shalt  }
0x55: {  	_ =	shalt  }
0x56: {  	_ =	shalt  }
0x57: {  	_ =	shalt  }
0x58: {  	_ =	shalt  }
0x59: {  	_ =	shalt  }
0x5a: {  	_ =	shalt  }
0x5b: {  	_ =	shalt  }
0x5c: {  	_ =	shalt  }
0x5d: {  	_ =	shalt  }
0x5e: {  	_ =	shalt  }
0x5f: {  	_ =	shalt  }
0x60: {  	_ =	shalt  }
0x61: {  	_ =	shalt  }
0x62: {  	_ =	shalt  }
0x63: {  	_ =	shalt  }
0x64: {  	_ =	shalt  }
0x65: {  	_ =	shalt  }
0x66: {  	_ =	shalt  }
0x67: {  	_ =	shalt  }
0x68: {  	_ =	shalt  }
0x69: {  	_ =	shalt  }
0x6a: {  	_ =	shalt  }
0x6b: {  	_ =	shalt  }
0x6c: {  	_ =	shalt  }
0x6d: {  	_ =	shalt  }
0x6e: {  	_ =	shalt  }
0x6f: {  	_ =	shalt  }
0x70: {  	_ =	shalt  }
0x71: {  	_ =	shalt  }
0x72: {  	_ =	shalt  }
0x73: {  	_ =	shalt  }
0x74: {  	_ =	shalt  }
0x75: {  	_ =	shalt  }
0x76: {  	_ =	shalt  }
0x77: {  	_ =	shalt  }
0x78: {  	_ =	shalt  }
0x79: {  	_ =	shalt  }
0x7a: {  	_ =	shalt  }
0x7b: {  	_ =	shalt  }
0x7c: {  	_ =	shalt  }
0x7d: {  	_ =	shalt  }
0x7e: {  	_ =	shalt  }
0x7f: {  	_ =	shalt  }
0x80: {  	_ =	shalt  }
0x81: {  	_ =	shalt  }
0x82: {  	_ =	shalt  }
0x83: {  	_ =	shalt  }
0x84: {  	_ =	shalt  }
0x85: {  	_ =	shalt  }
0x86: {  	_ =	shalt  }
0x87: {  	_ =	shalt  }
.Lfunc_end0:
.L_simem_size_0:
called_computation.1_lowered:
.L_overlay_start_0:
0x88: {  	s2 =	sld [smem:$0x3FD9]  }
0x89: {  	s3 =	sld [smem:$0x3FFE];
	_ =	sdelay $0x1  }
0x8a: {  	s1 =	srdreg.scid  }
0x8b: {  	s0 =	sand.u32 $0x1, s1  }
0x8c: {  	s17 =	sshll.u32 s0, $0xA;
	s2 =	sadd.s32 s3, s2  }
0x8d: {  	s2 =	sadd.s32 s2, s17  }
0x8e: {  	[smem:$0x3FC2] =	sst s2  }
0x8f: {  	_ = 	snop  }
0x90: {  	s2 =	sld [smem:$0x3FC9]  }
0x91: {  	s18 =	sld [smem:$0x3FC8]  }
0x92: {  	s4 =	sld [smem:$0x3FC7]  }
0x93: {  	s5 =	sld [smem:$0x3FD0];
	(tm) =	ssettm $0x1  }
0x94: {  	s6 =	sld [smem:$0x3FFB];
	_ =	sdelay $0x3  }
0x95: {  	_ =	strace s6  }
0x96: {  	s6 =	sld [smem:$0x3FFC];
	_ =	sdelay $0x3  }
0x97: {  	_ =	strace s6  }
0x98: {  	s6 =	sld [smem:$0x3FFD];
	_ =	sdelay $0x3  }
0x99: {  	_ =	strace s6  }
0x9a: {  	_ =	strace $0x8FFFFFFF  }
0x9b: {  	s19 =	sld [smem:$0x3FDB];
	_ =	sdelay $0x1  }
0x9c: {  	s7 =	simm.s32 $_scs_section_size  }
0x9d: {  	s8 =	simm.s32 $_size__tile_overlayer_lowered;
	s9 =	simm.s32 $_tile_overlayer_lowered  }
0x9e: {  	s22 =	simm.s32 $0x1BFF;
	s21 =	sshll.u32 s9, $0x1;
	s6 =	sadd.s32 s7, s19  }
0x9f: {  	s10 =	simm.s32 $0x0;
	s20 =	sshll.u32 s8, $0x1;
	s8 =	sadd.s32 s21, s6  }
0xa0: {  	[timem:s10], [sflag:s22] =	dma.local [hbm:s8], s20  }
0xa1: {  	_ =	swait.ge [sflag:s22], s20  }
0xa2: {  	s7 =	ssub.s32 $0x0, s20;
	[sflag:s22] =	ssyncset.done $0x0  }
0xa3: {  	[sflag:s22] =	ssyncadd.s32 s7;
	_ =	sdelay $0x1  }
0xa4: {  	s23 =	simm.s32 $0x1B8B  }
0xa5: {  	_ =	swait.ge [sflag:s23], $0x1  }
0xa6: {  	[sflag:s23] =	ssyncset.done $0x0  }
0xa7: {  	s25 =	simm.s32 $0x1B8E;
	s24 =	sld [smem:$0x3FFE];
	[sflag:s23] =	ssyncadd.s32 $0xFFFFFFFF  }
0xa8: {  	s26 =	simm.s32 $execute0_lowered;
	[smem:$0x3FD2] =	sst s25  }
0xa9: {  	s8 =	sshll.u32 s26, $0x1;
	_ =	strace $0x80000046;
	[dreg:$0x1] =	wrdreg $0xFFFFFFFF  }
0xaa: {  	s28 =	simm.s32 $_size_execute0_lowered;
	s6 =	sadd.s32 s6, s8;
	[dreg:$0x0] =	wrdreg $0x0  }
0xab: {  	s8 =	sshll.u32 s28, $0x1;
	[dreg:$0x2] =	wrdreg s6  }
0xac: {  	[dreg:$0x3] =	wrdreg s8  }
0xad: {  	[dreg:$0x4] =	wrdreg $0xC0  }
0xae: {  	_ =	task [dreg:s10], $0x5FFFF  }
0xaf: {  	[dreg:$0x1] =	wrdreg $0xFFFFFFFF  }
0xb0: {  	[dreg:$0x0] =	wrdreg $0x60  }
0xb1: {  	[dreg:$0x2] =	wrdreg s2  }
0xb2: {  	[dreg:$0x3] =	wrdreg s18  }
0xb3: {  	[dreg:$0x4] =	wrdreg s4  }
0xb4: {  	[dreg:$0x5] =	wrdreg s24  }
0xb5: {  	[dreg:$0x6] =	wrdreg s5  }
0xb6: {  	[dreg:$0x7] =	wrdreg $0x9  }
0xb7: {  	_ =	task.clear_ibuf [dreg:s10], $0x8FFFF;
	_ =	strace $0x90000046  }
0xb8: {  	s29 =	simm.s32 $0x9;
	_ =	strace $0x80000048  }
0xb9: {  	_ =	swait.ge [sflag:s29], $0x1  }
0xba: {  	[sflag:s29] =	ssyncadd.s32 $0xFFFFFFFF  }
0xbb: {  	_ =	strace $0x90000048  }
0xbc: {  	_ =	sfence  }
0xbd: {  	s30 =	sld [smem:$0x0];
	_ =	sdelay $0x2  }
0xbe: {  	s31 =	sshll.u32 s1, $0xD;
	s1 =	sshrl.u32 s1, $0x2  }
0xbf: {  	s3 =	sand.u32 $0x4000, s31;
	s1 =	sadd.s32 s1, s30  }
0xc0: {  	s0 =	sor.u32 s3, s0;
	s1 =	sshll.u32 s1, $0x11  }
0xc1: {  	s0 =	sor.u32 s1, s0  }
0xc2: {  	s0 =	sadd.s32 $0x8F2B, s0  }
0xc3: {  	[sflag:s0] =	ssyncadd.remote.s32 $0x1  }
0xc4: {  	_ =	sfence.sel $0xFFFF  }
0xc5: {  	[dreg:$0x0] =	wrdreg $0xFFFFFFFF;
	(pc) =	sbr.abs _section_cstart, $3  }
0xc6: {  	[dreg:$0x1] =	wrdreg $0xFFFFFFFF  }
0xc7: {  	_ =	task.clear_ibuf [dreg:s10], $0x2FFFF;
	_ =	strace $0x9FFFFFFF  }
0xc8: {  	(tm) =	ssettm $0x7FFFFFFF  }
0xc9: {  	_ =	shalt  }
tec
execute0_lowered:
.L_overlay_start_1:
0x0: {  	(tag) =	ssettag $0x1  }
0x1: {  	s1 =	rddreg [dreg:$0x0]  }
0x2: {  	s2 =	rddreg [dreg:$0x1]  }
0x3: {  	s3 =	rddreg [dreg:$0x2]  }
0x4: {  	s0 =	rddreg [dreg:$0x3]  }
0x5: {  	s5 =	rddreg [dreg:$0x4];
	s4 =	srdreg.scid;
	s6 =	simm.s32 $0x0  }
0x6: {  	s7 =	stileid.u32;
	s12 =	simm.s32 $0x4;
	s13 =	simm.s32 $0x2380  }
0x7: {  	s14 =	simm.s32 $0x2400;
	s15 =	simm.s32 $0x7;
	s16 =	simm.s32 $0x4580  }
0x8: {  	s17 =	simm.s32 $0x4600;
	s4 =	sand.u32 $0x1, s4;
	s7 =	sshll.u32 s7, $0x1  }
0x9: {  	s18 =	simm.s32 $0xA;
	[smem:$0x7FF] =	sst s6;
	s7 =	sor.u32 s4, s7  }
0xa: {  	s8 =	sadd.s32 $0xE00, s0;
	s9 =	ssub.s32 $0x2, s4;
	s4 =	sshll.u32 s7, $0x4  }
0xb: {  	_ =	strace $0x80000047;
	s10 =	sshrl.u32 s9, $0x1;
	s20 =	sadd.s32 s1, s4  }
0xc: {  	s19 =	ssub.s32 s9, s10;
	s21 =	sadd.s32 s2, s4;
	[dreg:$0x6] =	wrdreg s20  }
0xd: {  	s22 =	sor.u32 $0x200, s4;
	s23 =	sadd.s32 s3, s4;
	[dreg:$0x7] =	wrdreg s21  }
0xe: {  	s25 =	sor.u32 $0x400, s4;
	[dreg:$0x8] =	wrdreg s23;
	s24 =	sadd.s32 s1, s22  }
0xf: {  	s4 =	sor.u32 $0x600, s4;
	s11 =	sadd.s32 s2, s22;
	[dreg:$0x9] =	wrdreg s24  }
0x10: {  	s10 =	simm.s32 $0x180;
	s9 =	sadd.s32 s3, s22;
	[dreg:$0xa] =	wrdreg s11  }
0x11: {  	s26 =	sadd.s32 s1, s25;
	s28 =	sadd.s32 s2, s25;
	[dreg:$0xb] =	wrdreg s9  }
0x12: {  	s29 =	sadd.s32 s3, s25;
	s30 =	sadd.s32 s1, s4;
	[dreg:$0xc] =	wrdreg s26  }
0x13: {  	s31 =	sadd.s32 s2, s4;
	s4 =	sadd.s32 s3, s4;
	[dreg:$0xd] =	wrdreg s28  }
0x14: {  	s0 =	smax.u32 s19, $0x1;
	s22 =	simm.s32 $0x80;
	[dreg:$0xe] =	wrdreg s29  }
.Ltmp0:
0x15: {  	s19 =	simm.s32 $0x6780;
	[dreg:$0xf] =	wrdreg s30;
	(pc) =	sbr.rel .LBB2_1-.Ltmp0, $4  }
0x16: {  	s20 =	simm.s32 $0x6800;
	s21 =	simm.s32 $0x2;
	[dreg:$0x10] =	wrdreg s31  }
0x17: {  	s23 =	simm.s32 $0x5;
	s25 =	simm.s32 $0xB;
	[dreg:$0x11] =	wrdreg s4  }
0x18: {  	[dreg:$0x12] =	wrdreg s0;
	s9 =	simm.s32 $0x1;
	s11 =	simm.s32 $0x200  }
0x19: {  	s24 =	simm.s32 $0x8;
	s26 =	simm.s32 $0xC;
	s4 =	simm.s32 $0x0  }
.LBB2_8:
0x1a: {  	s0 =	simm.s32 $0x3  }
0x1b: {  	_ =	swait.ge [sflag:s0], $0x2000  }
0x1c: {  	[sflag:s0] =	ssyncset.done $0x0  }
0x1d: {  	s29 =	simm.s32 $0x6;
	[sflag:s0] =	ssyncadd.s32 $0xFFFFE000  }
0x1e: {  	_ =	swait.ge [sflag:s29], $0x2000  }
0x1f: {  	[sflag:s29] =	ssyncset.done $0x0  }
0x20: {  	s30 =	simm.s32 $0x9;
	[sflag:s29] =	ssyncadd.s32 $0xFFFFE000  }
0x21: {  	_ =	swait.ge [sflag:s30], $0x2000  }
0x22: {  	[sflag:s30] =	ssyncset.done $0x0  }
0x23: {  	[sflag:s30] =	ssyncadd.s32 $0xFFFFE000  }
0x24: {  	_ =	swait.ge [sflag:s26], $0x2000  }
0x25: {  	s4 =	rddreg [dreg:$0x13]  }
0x26: {  	s31 =	rddreg [dreg:$0x12];
	s4 =	sadd.s32 $0x1, s4  }
0x27: {  	p0 =	sne.s32 s4, s31  }
.Ltmp1:
0x28: {  	_ = 	snop;
	(pc) =	sbr.rel @!p0 .LBB2_9-.Ltmp1, $3  }
0x29: {  	_ =	sdelay $0x1  }
0x2a: {  	[sflag:s26] =	ssyncset.done $0x0  }
0x2b: {  	[sflag:s26] =	ssyncadd.s32 $0xFFFFE000  }
.LBB2_1:
0x2c: {  	[dreg:$0x13] =	wrdreg s4  }
0x2d: {  	s0 =	rddreg [dreg:$0x6]  }
0x2e: {  	[tilespmem:s6], [sflag:$0x1] =	stream.linear.gather [hbm4b:s0+s6], $0x80, $0x38;
	[tilespmem:$0x8800] =	vst v63  }
0x2f: {  	s31 =	rddreg [dreg:$0x7]  }
0x30: {  	[tilespmem:s22], [sflag:$0x1] =	stream.linear.gather [hbm4b:s31+s6], $0x80, $0x38;
	[tilespmem:$0x8800] =	vst v63  }
0x31: {  	s4 =	rddreg [dreg:$0x8];
	s28 =	simm.s32 $0x100  }
0x32: {  	[tilespmem:s28], [sflag:$0x1] =	stream.linear.gather [hbm4b:s4+s6], $0x80, $0x38;
	[tilespmem:$0x8800] =	vst v63  }
0x33: {  	s30 =	rddreg [dreg:$0x9];
	s31 =	simm.s32 $0x2200  }
0x34: {  	[tilespmem:s31], [sflag:$0x4] =	stream.linear.gather [hbm4b:s30+s6], $0x80, $0x38;
	[tilespmem:$0x8800] =	vst v63  }
0x35: {  	s4 =	rddreg [dreg:$0xa];
	s28 =	simm.s32 $0x2280  }
0x36: {  	[tilespmem:s28], [sflag:$0x4] =	stream.linear.gather [hbm4b:s4+s6], $0x80, $0x38;
	[tilespmem:$0x8800] =	vst v63  }
0x37: {  	s30 =	rddreg [dreg:$0xb];
	s31 =	simm.s32 $0x2300  }
0x38: {  	[tilespmem:s31], [sflag:$0x4] =	stream.linear.gather [hbm4b:s30+s6], $0x80, $0x38;
	[tilespmem:$0x8800] =	vst v63  }
0x39: {  	s4 =	rddreg [dreg:$0xc];
	s28 =	simm.s32 $0x4400  }
0x3a: {  	[tilespmem:s28], [sflag:$0x7] =	stream.linear.gather [hbm4b:s4+s6], $0x80, $0x38;
	[tilespmem:$0x8800] =	vst v63  }
0x3b: {  	s30 =	rddreg [dreg:$0xd];
	s31 =	simm.s32 $0x4480  }
0x3c: {  	[tilespmem:s31], [sflag:$0x7] =	stream.linear.gather [hbm4b:s30+s6], $0x80, $0x38;
	[tilespmem:$0x8800] =	vst v63  }
0x3d: {  	s4 =	rddreg [dreg:$0xe];
	s28 =	simm.s32 $0x4500  }
0x3e: {  	[tilespmem:s28], [sflag:$0x7] =	stream.linear.gather [hbm4b:s4+s6], $0x80, $0x38;
	[tilespmem:$0x8800] =	vst v63  }
0x3f: {  	s30 =	rddreg [dreg:$0xf];
	s31 =	simm.s32 $0x6600  }
0x40: {  	[tilespmem:s31], [sflag:$0xA] =	stream.linear.gather [hbm4b:s30+s6], $0x80, $0x38;
	[tilespmem:$0x8800] =	vst v63  }
.Ltmp2:
0x41: {  	_ = 	snop;
	(pc) =	sbr.rel .LBB2_2-.Ltmp2, $4  }
0x42: {  	s4 =	rddreg [dreg:$0x10];
	s28 =	simm.s32 $0x6680  }
0x43: {  	[tilespmem:s28], [sflag:$0xA] =	stream.linear.gather [hbm4b:s4+s6], $0x80, $0x38;
	[tilespmem:$0x8800] =	vst v63  }
0x44: {  	s29 =	simm.s32 $0x0;
	s30 =	rddreg [dreg:$0x11];
	s31 =	simm.s32 $0x6700  }
0x45: {  	[tilespmem:s31], [sflag:$0xA] =	stream.linear.gather [hbm4b:s30+s6], $0x80, $0x38;
	[tilespmem:$0x8800] =	vst v63  }
.LBB2_3:
0x46: {  	[tilespmem:s20], [sflag:$0xB] =	stream.indirect.gather [hbm4b:s8+s22], $0x40, s19, s22, $0xb8;
	[tilespmem:$0x8800] =	vst v63  }
0x47: {  	s28 =	simm.s32 $0x1  }
.LBB2_6:
0x48: {  	s30 =	sshll.u32 s28, $0x7  }
0x49: {  	s30 =	sor.u32 s7, s30  }
0x4a: {  	s31 =	smin.u32 s30, $0x1869  }
0x4b: {  	s31 =	sshll.u32 s31, $0x4  }
0x4c: {  	s0 =	sadd.s32 s1, s31  }
0x4d: {  	[tilespmem:s6], [sflag:$0x1] =	stream.linear.gather [hbm4b:s0+s6], $0x80, $0x38;
	[tilespmem:$0x8800] =	vst v63  }
0x4e: {  	s4 =	sadd.s32 s2, s31  }
0x4f: {  	[tilespmem:s22], [sflag:$0x1] =	stream.linear.gather [hbm4b:s4+s6], $0x80, $0x38;
	[tilespmem:$0x8800] =	vst v63  }
0x50: {  	s0 =	sadd.s32 s3, s31;
	s4 =	simm.s32 $0x100  }
0x51: {  	[tilespmem:s4], [sflag:$0x1] =	stream.linear.gather [hbm4b:s0+s6], $0x80, $0x38;
	[tilespmem:$0x8800] =	vst v63  }
0x52: {  	s4 =	sor.u32 $0x20, s30  }
0x53: {  	s0 =	smin.u32 s4, $0x1869  }
0x54: {  	s0 =	sshll.u32 s0, $0x4  }
0x55: {  	s4 =	simm.s32 $0x2200;
	s31 =	sadd.s32 s1, s0  }
0x56: {  	[tilespmem:s4], [sflag:$0x4] =	stream.linear.gather [hbm4b:s31+s6], $0x80, $0x38;
	[tilespmem:$0x8800] =	vst v63  }
0x57: {  	s31 =	sadd.s32 s2, s0;
	s4 =	simm.s32 $0x2280  }
0x58: {  	[tilespmem:s4], [sflag:$0x4] =	stream.linear.gather [hbm4b:s31+s6], $0x80, $0x38;
	[tilespmem:$0x8800] =	vst v63  }
0x59: {  	s0 =	sadd.s32 s3, s0;
	s31 =	simm.s32 $0x2300;
	s4 =	sor.u32 $0x40, s30  }
0x5a: {  	[tilespmem:s31], [sflag:$0x4] =	stream.linear.gather [hbm4b:s0+s6], $0x80, $0x38;
	[tilespmem:$0x8800] =	vst v63  }
0x5b: {  	s0 =	smin.u32 s4, $0x1869  }
0x5c: {  	s0 =	sshll.u32 s0, $0x4  }
0x5d: {  	s4 =	simm.s32 $0x4400;
	s31 =	sadd.s32 s1, s0  }
0x5e: {  	[tilespmem:s4], [sflag:$0x7] =	stream.linear.gather [hbm4b:s31+s6], $0x80, $0x38;
	[tilespmem:$0x8800] =	vst v63  }
0x5f: {  	s31 =	sadd.s32 s2, s0;
	s4 =	simm.s32 $0x4480  }
0x60: {  	[tilespmem:s4], [sflag:$0x7] =	stream.linear.gather [hbm4b:s31+s6], $0x80, $0x38;
	[tilespmem:$0x8800] =	vst v63  }
0x61: {  	s0 =	sadd.s32 s3, s0;
	s31 =	simm.s32 $0x4500  }
0x62: {  	[tilespmem:s31], [sflag:$0x7] =	stream.linear.gather [hbm4b:s0+s6], $0x80, $0x38;
	[tilespmem:$0x8800] =	vst v63  }
0x63: {  	s31 =	sor.u32 $0x60, s30  }
0x64: {  	s0 =	smin.u32 s31, $0x1869  }
0x65: {  	s0 =	sshll.u32 s0, $0x4  }
0x66: {  	s31 =	simm.s32 $0x6600;
	s4 =	sadd.s32 s1, s0  }
0x67: {  	[tilespmem:s31], [sflag:$0xA] =	stream.linear.gather [hbm4b:s4+s6], $0x80, $0x38;
	[tilespmem:$0x8800] =	vst v63  }
0x68: {  	s4 =	sadd.s32 s2, s0;
	s31 =	simm.s32 $0x6680  }
0x69: {  	[tilespmem:s31], [sflag:$0xA] =	stream.linear.gather [hbm4b:s4+s6], $0x80, $0x38;
	[tilespmem:$0x8800] =	vst v63  }
0x6a: {  	s0 =	sadd.s32 s3, s0;
	s31 =	simm.s32 $0x6700  }
0x6b: {  	[tilespmem:s31], [sflag:$0xA] =	stream.linear.gather [hbm4b:s0+s6], $0x80, $0x38;
	[tilespmem:$0x8800] =	vst v63  }
.LBB2_7:
0x6c: {  	s0 =	sshll.u32 s29, $0x7  }
0x6d: {  	s0 =	sor.u32 s7, s0  }
0x6e: {  	_ =	swait.ge [sflag:s21], $0x2000;
	s29 =	smin.u32 s0, $0x1869  }
0x6f: {  	[sflag:s21] =	ssyncset.done $0x0;
	s29 =	sshll.u32 s29, $0xA  }
0x70: {  	[sflag:s21] =	ssyncadd.s32 $0xFFFFE000;
	s29 =	sadd.s32 s5, s29  }
0x71: {  	[hbm4b:s29+s6] =	stream.linear.scatter [tilespmem:s11], [sflag:$0x3], $0x2000, $0x38;
	[tilespmem:$0x8800] =	vst v63  }
0x72: {  	s29 =	sor.u32 $0x20, s0  }
0x73: {  	_ =	swait.ge [sflag:s23], $0x2000;
	s29 =	smin.u32 s29, $0x1869  }
0x74: {  	[sflag:s23] =	ssyncset.done $0x0;
	s29 =	sshll.u32 s29, $0xA  }
0x75: {  	[sflag:s23] =	ssyncadd.s32 $0xFFFFE000;
	s29 =	sadd.s32 s5, s29  }
0x76: {  	[hbm4b:s29+s6] =	stream.linear.scatter [tilespmem:s14], [sflag:$0x6], $0x2000, $0x38;
	[tilespmem:$0x8800] =	vst v63  }
0x77: {  	s29 =	sor.u32 $0x40, s0  }
0x78: {  	_ =	swait.ge [sflag:s24], $0x2000;
	s29 =	smin.u32 s29, $0x1869  }
0x79: {  	[sflag:s24] =	ssyncset.done $0x0;
	s29 =	sshll.u32 s29, $0xA  }
0x7a: {  	p0 =	slt.u32 s28, $0x31;
	[sflag:s24] =	ssyncadd.s32 $0xFFFFE000;
	s29 =	sadd.s32 s5, s29  }
0x7b: {  	[hbm4b:s29+s6] =	stream.linear.scatter [tilespmem:s17], [sflag:$0x9], $0x2000, $0x38;
	[tilespmem:$0x8800] =	vst v63  }
.Ltmp3:
0x7c: {  	s0 =	sor.u32 $0x60, s0;
	(pc) =	sbr.rel @!p0 .LBB2_8-.Ltmp3, $4  }
0x7d: {  	s0 =	smin.u32 s0, $0x1869;
	_ =	swait.ge [sflag:s25], $0x2000  }
0x7e: {  	s0 =	sshll.u32 s0, $0xA;
	[sflag:s25] =	ssyncset.done $0x0  }
0x7f: {  	s0 =	sadd.s32 s5, s0;
	s29 =	smov.u32 s28;
	[sflag:s25] =	ssyncadd.s32 $0xFFFFE000  }
0x80: {  	[hbm4b:s0+s6] =	stream.linear.scatter [tilespmem:s20], [sflag:$0xC], $0x2000, $0x38;
	[tilespmem:$0x8800] =	vst v63  }
.LBB2_2:
0x81: {  	_ =	swait.ge [sflag:s9], $0x80  }
0x82: {  	[sflag:s9] =	ssyncset.done $0x0  }
0x83: {  	[sflag:s9] =	ssyncadd.s32 $0xFFFFFF80  }
0x84: {  	_ =	swait.ge [sflag:s9], $0x80  }
0x85: {  	[sflag:s9] =	ssyncset.done $0x0  }
0x86: {  	[sflag:s9] =	ssyncadd.s32 $0xFFFFFF80  }
0x87: {  	_ =	swait.ge [sflag:s9], $0x80  }
0x88: {  	[sflag:s9] =	ssyncset.done $0x0  }
0x89: {  	[sflag:s9] =	ssyncadd.s32 $0xFFFFFF80  }
0x8a: {  	v0 =	vld [tilespmem:$0x0]  }
0x8b: {  	v1 =	vld [tilespmem:$0x80]  }
0x8c: {  	v2 =	vld [tilespmem:$0x100]  }
0x8d: {  	v3 =	vld [tilespmem:$0x10]  }
0x8e: {  	v4 =	vld [tilespmem:$0x90]  }
0x8f: {  	v5 =	vld [tilespmem:$0x110]  }
0x90: {  	v6 =	vld [tilespmem:$0x20]  }
0x91: {  	v7 =	vld [tilespmem:$0xA0]  }
0x92: {  	v8 =	vld [tilespmem:$0x120]  }
0x93: {  	v9 =	vld [tilespmem:$0x30]  }
0x94: {  	v10 =	vld [tilespmem:$0xB0]  }
0x95: {  	v11 =	vld [tilespmem:$0x130]  }
0x96: {  	v12 =	vld [tilespmem:$0x40]  }
0x97: {  	v13 =	vld [tilespmem:$0xC0]  }
0x98: {  	v15 =	vld [tilespmem:$0x50]  }
0x99: {  	v16 =	vld [tilespmem:$0xD0]  }
0x9a: {  	v17 =	vld [tilespmem:$0x60]  }
0x9b: {  	v18 =	vld [tilespmem:$0xE0];
	v0 =	vmul.u32 $0x45, v0;
	v1 =	vmul.u32 $0x3, v1;
	v3 =	vmul.u32 $0x45, v3  }
0x9c: {  	v57 =	vld [tilespmem:$0x70];
	v4 =	vmul.u32 $0x3, v4;
	v6 =	vmul.u32 $0x45, v6;
	v7 =	vmul.u32 $0x3, v7  }
0x9d: {  	v60 =	vld [tilespmem:$0xF0];
	v55 =	vmul.u32 $0x45, v9;
	v56 =	vmul.u32 $0x3, v10;
	v61 =	vmul.u32 $0x45, v12  }
0x9e: {  	v63 =	vld [tilespmem:$0x150];
	v62 =	vmul.u32 $0x3, v13;
	v21 =	vmul.u32 $0x45, v15;
	v0 =	vadd.s32 v0, v1  }
0x9f: {  	v19 =	vld [tilespmem:$0x160];
	v22 =	vmul.u32 $0x3, v16;
	v58 =	vadd.s32 v3, v4;
	v0 =	vadd.s32 v2, v0  }
0xa0: {  	v14 =	vld [tilespmem:$0x140];
	v24 =	vmul.u32 $0x45, v17;
	v59 =	vadd.s32 v6, v7;
	v12 =	vadd.s32 v5, v58;
	[tilespmem:$0x180] =	vst v0  }
0xa1: {  	v23 =	vld [tilespmem:$0x170];
	v25 =	vmul.u32 $0x3, v18;
	v1 =	vadd.s32 v55, v56;
	v13 =	vadd.s32 v8, v59;
	[tilespmem:$0x190] =	vst v12  }
0xa2: {  	v27 =	vmul.u32 $0x45, v57;
	v26 =	vadd.s32 v21, v22;
	v1 =	vadd.s32 v11, v1;
	[tilespmem:$0x1A0] =	vst v13  }
0xa3: {  	v4 =	vmul.u32 $0x3, v60;
	v29 =	vadd.s32 v24, v25;
	v28 =	vadd.s32 v63, v26;
	[tilespmem:$0x1B0] =	vst v1  }
0xa4: {  	v20 =	vadd.s32 v61, v62;
	v30 =	vadd.s32 v19, v29;
	[tilespmem:$0x1D0] =	vst v28  }
0xa5: {  	v0 =	vadd.s32 v14, v20;
	v31 =	vadd.s32 v27, v4;
	[tilespmem:$0x1E0] =	vst v30  }
0xa6: {  	p0 =	seq.s32 s29, $0x0;
	[tilespmem:$0x1C0] =	vst v0;
	v32 =	vadd.s32 v23, v31  }
0xa7: {  	s28 =	simm.s32 @!p0 $0x3;
	[tilespmem:$0x1F0] =	vst v32  }
0xa8: {  	_ =	swait.ge @!p0 [sflag:s28], $0x2000  }
0xa9: {  	[sflag:s28] =	ssyncset.done @!p0 $0x0  }
0xaa: {  	[sflag:s28] =	ssyncadd.s32 @!p0 $0xFFFFE000  }
0xab: {  	[tilespmem:s11], [sflag:$0x2] =	stream.indirect.gather [hbm4b:s8+s22], $0x40, s10, s22, $0xb8;
	[tilespmem:$0x8800] =	vst v63  }
0xac: {  	_ =	swait.ge [sflag:s12], $0x80  }
0xad: {  	[sflag:s12] =	ssyncset.done $0x0  }
0xae: {  	[sflag:s12] =	ssyncadd.s32 $0xFFFFFF80  }
0xaf: {  	_ =	swait.ge [sflag:s12], $0x80  }
0xb0: {  	[sflag:s12] =	ssyncset.done $0x0  }
0xb1: {  	[sflag:s12] =	ssyncadd.s32 $0xFFFFFF80  }
0xb2: {  	_ =	swait.ge [sflag:s12], $0x80  }
0xb3: {  	[sflag:s12] =	ssyncset.done $0x0  }
0xb4: {  	[sflag:s12] =	ssyncadd.s32 $0xFFFFFF80  }
0xb5: {  	v33 =	vld [tilespmem:$0x2200]  }
0xb6: {  	v34 =	vld [tilespmem:$0x2280]  }
0xb7: {  	v35 =	vld [tilespmem:$0x2300]  }
0xb8: {  	v36 =	vld [tilespmem:$0x2210]  }
0xb9: {  	v37 =	vld [tilespmem:$0x2290]  }
0xba: {  	v38 =	vld [tilespmem:$0x2310]  }
0xbb: {  	v39 =	vld [tilespmem:$0x2220]  }
0xbc: {  	v40 =	vld [tilespmem:$0x22A0]  }
0xbd: {  	v41 =	vld [tilespmem:$0x2320]  }
0xbe: {  	v42 =	vld [tilespmem:$0x2230]  }
0xbf: {  	v43 =	vld [tilespmem:$0x22B0]  }
0xc0: {  	v44 =	vld [tilespmem:$0x2330]  }
0xc1: {  	v45 =	vld [tilespmem:$0x2240]  }
0xc2: {  	v46 =	vld [tilespmem:$0x22C0]  }
0xc3: {  	v48 =	vld [tilespmem:$0x2250]  }
0xc4: {  	v49 =	vld [tilespmem:$0x22D0]  }
0xc5: {  	v50 =	vld [tilespmem:$0x2260]  }
0xc6: {  	v51 =	vld [tilespmem:$0x22E0];
	v0 =	vmul.u32 $0x45, v33;
	v1 =	vmul.u32 $0x3, v34;
	v3 =	vmul.u32 $0x45, v36  }
0xc7: {  	v54 =	vld [tilespmem:$0x2270];
	v4 =	vmul.u32 $0x3, v37;
	v6 =	vmul.u32 $0x45, v39;
	v7 =	vmul.u32 $0x3, v40  }
0xc8: {  	v57 =	vld [tilespmem:$0x22F0];
	v52 =	vmul.u32 $0x45, v42;
	v53 =	vmul.u32 $0x3, v43;
	v58 =	vmul.u32 $0x45, v45  }
0xc9: {  	v60 =	vld [tilespmem:$0x2350];
	v59 =	vmul.u32 $0x3, v46;
	v13 =	vmul.u32 $0x45, v48;
	v0 =	vadd.s32 v0, v1  }
0xca: {  	v63 =	vld [tilespmem:$0x2360];
	v15 =	vmul.u32 $0x3, v49;
	v55 =	vadd.s32 v3, v4;
	v0 =	vadd.s32 v35, v0  }
0xcb: {  	v47 =	vld [tilespmem:$0x2340];
	v19 =	vmul.u32 $0x45, v50;
	v56 =	vadd.s32 v6, v7;
	v61 =	vadd.s32 v38, v55;
	[tilespmem:$0x2380] =	vst v0  }
0xcc: {  	v16 =	vld [tilespmem:$0x2370];
	v20 =	vmul.u32 $0x3, v51;
	v1 =	vadd.s32 v52, v53;
	v62 =	vadd.s32 v41, v56;
	[tilespmem:$0x2390] =	vst v61  }
0xcd: {  	v22 =	vmul.u32 $0x45, v54;
	v21 =	vadd.s32 v13, v15;
	v1 =	vadd.s32 v44, v1;
	[tilespmem:$0x23A0] =	vst v62  }
0xce: {  	v4 =	vmul.u32 $0x3, v57;
	v24 =	vadd.s32 v19, v20;
	v23 =	vadd.s32 v60, v21;
	[tilespmem:$0x23B0] =	vst v1  }
0xcf: {  	v12 =	vadd.s32 v58, v59;
	v25 =	vadd.s32 v63, v24;
	[tilespmem:$0x23D0] =	vst v23  }
0xd0: {  	v0 =	vadd.s32 v47, v12;
	v26 =	vadd.s32 v22, v4;
	[tilespmem:$0x23E0] =	vst v25  }
0xd1: {  	[tilespmem:$0x23C0] =	vst v0;
	v27 =	vadd.s32 v16, v26  }
0xd2: {  	s28 =	simm.s32 @!p0 $0x6;
	[tilespmem:$0x23F0] =	vst v27  }
0xd3: {  	_ =	swait.ge @!p0 [sflag:s28], $0x2000  }
0xd4: {  	[sflag:s28] =	ssyncset.done @!p0 $0x0  }
0xd5: {  	[sflag:s28] =	ssyncadd.s32 @!p0 $0xFFFFE000  }
0xd6: {  	[tilespmem:s14], [sflag:$0x5] =	stream.indirect.gather [hbm4b:s8+s22], $0x40, s13, s22, $0xb8;
	[tilespmem:$0x8800] =	vst v63  }
0xd7: {  	_ =	swait.ge [sflag:s15], $0x80  }
0xd8: {  	[sflag:s15] =	ssyncset.done $0x0  }
0xd9: {  	[sflag:s15] =	ssyncadd.s32 $0xFFFFFF80  }
0xda: {  	_ =	swait.ge [sflag:s15], $0x80  }
0xdb: {  	[sflag:s15] =	ssyncset.done $0x0  }
0xdc: {  	[sflag:s15] =	ssyncadd.s32 $0xFFFFFF80  }
0xdd: {  	_ =	swait.ge [sflag:s15], $0x80  }
0xde: {  	[sflag:s15] =	ssyncset.done $0x0  }
0xdf: {  	[sflag:s15] =	ssyncadd.s32 $0xFFFFFF80  }
0xe0: {  	v28 =	vld [tilespmem:$0x4400]  }
0xe1: {  	v29 =	vld [tilespmem:$0x4480]  }
0xe2: {  	v30 =	vld [tilespmem:$0x4500]  }
0xe3: {  	v31 =	vld [tilespmem:$0x4410]  }
0xe4: {  	v32 =	vld [tilespmem:$0x4490]  }
0xe5: {  	v33 =	vld [tilespmem:$0x4510]  }
0xe6: {  	v34 =	vld [tilespmem:$0x4420]  }
0xe7: {  	v35 =	vld [tilespmem:$0x44A0]  }
0xe8: {  	v36 =	vld [tilespmem:$0x4520]  }
0xe9: {  	v37 =	vld [tilespmem:$0x4430]  }
0xea: {  	v38 =	vld [tilespmem:$0x44B0]  }
0xeb: {  	v39 =	vld [tilespmem:$0x4530]  }
0xec: {  	v40 =	vld [tilespmem:$0x4440]  }
0xed: {  	v41 =	vld [tilespmem:$0x44C0]  }
0xee: {  	v43 =	vld [tilespmem:$0x4450]  }
0xef: {  	v44 =	vld [tilespmem:$0x44D0]  }
0xf0: {  	v45 =	vld [tilespmem:$0x4460]  }
0xf1: {  	v46 =	vld [tilespmem:$0x44E0];
	v0 =	vmul.u32 $0x45, v28;
	v1 =	vmul.u32 $0x3, v29;
	v3 =	vmul.u32 $0x45, v31  }
0xf2: {  	v49 =	vld [tilespmem:$0x4470];
	v4 =	vmul.u32 $0x3, v32;
	v6 =	vmul.u32 $0x45, v34;
	v7 =	vmul.u32 $0x3, v35  }
0xf3: {  	v52 =	vld [tilespmem:$0x44F0];
	v47 =	vmul.u32 $0x45, v37;
	v48 =	vmul.u32 $0x3, v38;
	v53 =	vmul.u32 $0x45, v40  }
0xf4: {  	v55 =	vld [tilespmem:$0x4550];
	v54 =	vmul.u32 $0x3, v41;
	v60 =	vmul.u32 $0x45, v43;
	v0 =	vadd.s32 v0, v1  }
0xf5: {  	v58 =	vld [tilespmem:$0x4560];
	v61 =	vmul.u32 $0x3, v44;
	v50 =	vadd.s32 v3, v4;
	v0 =	vadd.s32 v30, v0  }
0xf6: {  	v42 =	vld [tilespmem:$0x4540];
	v63 =	vmul.u32 $0x45, v45;
	v51 =	vadd.s32 v6, v7;
	v56 =	vadd.s32 v33, v50;
	[tilespmem:$0x4580] =	vst v0  }
0xf7: {  	v62 =	vld [tilespmem:$0x4570];
	v12 =	vmul.u32 $0x3, v46;
	v1 =	vadd.s32 v47, v48;
	v57 =	vadd.s32 v36, v51;
	[tilespmem:$0x4590] =	vst v56  }
0xf8: {  	v14 =	vmul.u32 $0x45, v49;
	v13 =	vadd.s32 v60, v61;
	v1 =	vadd.s32 v39, v1;
	[tilespmem:$0x45A0] =	vst v57  }
0xf9: {  	v4 =	vmul.u32 $0x3, v52;
	v16 =	vadd.s32 v63, v12;
	v15 =	vadd.s32 v55, v13;
	[tilespmem:$0x45B0] =	vst v1  }
0xfa: {  	v59 =	vadd.s32 v53, v54;
	v17 =	vadd.s32 v58, v16;
	[tilespmem:$0x45D0] =	vst v15  }
0xfb: {  	v0 =	vadd.s32 v42, v59;
	v18 =	vadd.s32 v14, v4;
	[tilespmem:$0x45E0] =	vst v17  }
0xfc: {  	[tilespmem:$0x45C0] =	vst v0;
	v19 =	vadd.s32 v62, v18  }
0xfd: {  	s28 =	simm.s32 @!p0 $0x9;
	[tilespmem:$0x45F0] =	vst v19  }
0xfe: {  	_ =	swait.ge @!p0 [sflag:s28], $0x2000  }
0xff: {  	[sflag:s28] =	ssyncset.done @!p0 $0x0  }
0x100: {  	[sflag:s28] =	ssyncadd.s32 @!p0 $0xFFFFE000  }
0x101: {  	[tilespmem:s17], [sflag:$0x8] =	stream.indirect.gather [hbm4b:s8+s22], $0x40, s16, s22, $0xb8;
	[tilespmem:$0x8800] =	vst v63  }
0x102: {  	_ =	swait.ge [sflag:s18], $0x80  }
0x103: {  	[sflag:s18] =	ssyncset.done $0x0  }
0x104: {  	[sflag:s18] =	ssyncadd.s32 $0xFFFFFF80  }
0x105: {  	_ =	swait.ge [sflag:s18], $0x80  }
0x106: {  	[sflag:s18] =	ssyncset.done $0x0  }
0x107: {  	[sflag:s18] =	ssyncadd.s32 $0xFFFFFF80  }
0x108: {  	_ =	swait.ge [sflag:s18], $0x80  }
0x109: {  	[sflag:s18] =	ssyncset.done $0x0  }
0x10a: {  	[sflag:s18] =	ssyncadd.s32 $0xFFFFFF80  }
0x10b: {  	v20 =	vld [tilespmem:$0x6600]  }
0x10c: {  	v21 =	vld [tilespmem:$0x6680]  }
0x10d: {  	v22 =	vld [tilespmem:$0x6700]  }
0x10e: {  	v23 =	vld [tilespmem:$0x6610]  }
0x10f: {  	v24 =	vld [tilespmem:$0x6690]  }
0x110: {  	v25 =	vld [tilespmem:$0x6710]  }
0x111: {  	v26 =	vld [tilespmem:$0x6620]  }
0x112: {  	v27 =	vld [tilespmem:$0x66A0]  }
0x113: {  	v28 =	vld [tilespmem:$0x6720]  }
0x114: {  	v29 =	vld [tilespmem:$0x6630]  }
0x115: {  	v30 =	vld [tilespmem:$0x66B0]  }
0x116: {  	v31 =	vld [tilespmem:$0x6730]  }
0x117: {  	v32 =	vld [tilespmem:$0x6640]  }
0x118: {  	v33 =	vld [tilespmem:$0x66C0]  }
0x119: {  	v35 =	vld [tilespmem:$0x6650]  }
0x11a: {  	v36 =	vld [tilespmem:$0x66D0]  }
0x11b: {  	v37 =	vld [tilespmem:$0x6660]  }
0x11c: {  	v38 =	vld [tilespmem:$0x66E0];
	v0 =	vmul.u32 $0x45, v20;
	v1 =	vmul.u32 $0x3, v21;
	v3 =	vmul.u32 $0x45, v23  }
0x11d: {  	v41 =	vld [tilespmem:$0x6670];
	v4 =	vmul.u32 $0x3, v24;
	v6 =	vmul.u32 $0x45, v26;
	v7 =	vmul.u32 $0x3, v27  }
0x11e: {  	v44 =	vld [tilespmem:$0x66F0];
	v39 =	vmul.u32 $0x45, v29;
	v40 =	vmul.u32 $0x3, v30;
	v45 =	vmul.u32 $0x45, v32  }
0x11f: {  	v47 =	vld [tilespmem:$0x6750];
	v46 =	vmul.u32 $0x3, v33;
	v52 =	vmul.u32 $0x45, v35;
	v0 =	vadd.s32 v0, v1  }
0x120: {  	v50 =	vld [tilespmem:$0x6760];
	v53 =	vmul.u32 $0x3, v36;
	v42 =	vadd.s32 v3, v4;
	v0 =	vadd.s32 v22, v0  }
0x121: {  	v34 =	vld [tilespmem:$0x6740];
	v55 =	vmul.u32 $0x45, v37;
	v43 =	vadd.s32 v6, v7;
	v48 =	vadd.s32 v25, v42;
	[tilespmem:$0x6780] =	vst v0  }
0x122: {  	v54 =	vld [tilespmem:$0x6770];
	v56 =	vmul.u32 $0x3, v38;
	v1 =	vadd.s32 v39, v40;
	v49 =	vadd.s32 v28, v43;
	[tilespmem:$0x6790] =	vst v48  }
0x123: {  	p0 =	sne.s32 s29, $0x0;
	v58 =	vmul.u32 $0x45, v41;
	v57 =	vadd.s32 v52, v53;
	v1 =	vadd.s32 v31, v1;
	[tilespmem:$0x67A0] =	vst v49  }
.Ltmp4:
0x124: {  	v4 =	vmul.u32 $0x3, v44;
	v60 =	vadd.s32 v55, v56;
	v59 =	vadd.s32 v47, v57;
	[tilespmem:$0x67B0] =	vst v1;
	(pc) =	sbr.rel @!p0 .LBB2_3-.Ltmp4, $4  }
0x125: {  	v51 =	vadd.s32 v45, v46;
	v61 =	vadd.s32 v50, v60;
	[tilespmem:$0x67D0] =	vst v59  }
0x126: {  	v0 =	vadd.s32 v34, v51;
	v62 =	vadd.s32 v58, v4;
	[tilespmem:$0x67E0] =	vst v61  }
0x127: {  	[tilespmem:$0x67C0] =	vst v0;
	v63 =	vadd.s32 v54, v62  }
0x128: {  	[tilespmem:$0x67F0] =	vst v63  }
0x129: {  	p0 =	seq.s32 s29, $0x30  }
.Ltmp5:
0x12a: {  	_ = 	snop;
	(pc) =	sbr.rel @p0 .LBB2_7-.Ltmp5, $4  }
0x12b: {  	_ =	swait.ge [sflag:s26], $0x2000  }
0x12c: {  	[sflag:s26] =	ssyncset.done $0x0  }
0x12d: {  	s28 =	simm.s32 $0x31;
	[sflag:s26] =	ssyncadd.s32 $0xFFFFE000  }
0x12e: {  	[tilespmem:s20], [sflag:$0xB] =	stream.indirect.gather [hbm4b:s8+s22], $0x40, s19, s22, $0xb8;
	[tilespmem:$0x8800] =	vst v63  }
.Ltmp6:
0x12f: {  	(pc) =	sbr.rel .LBB2_6-.Ltmp6, $2  }
0x130: {  	_ =	sdelay $0x2  }
0x131: {  	s28 =	sadd.s32 $0x1, s29  }
.LBB2_9:
0x132: {  	_ =	sfence.sel $0x180000  }
0x133: {  	[bflag:$0x0] =	sbarrier.arrive $0xFFFF  }
0x134: {  	_ =	strace $0x90000047  }
0x135: {  	s0 =	stileid.u32;
	[bflag:$0x2] =	sbarrier.arrive $0xFFFF  }
0x136: {  	p0 =	sne.s32 s0, $0x0;
	s0 =	rddreg [dreg:$0x5]  }
0x137: {  	s0 =	sadd.s32 @!p0 $0x100000, s0  }
0x138: {  	[sflag:s0] =	ssyncadd.tile.s32 @!p0 $0x1;
	_ =	shalt  }
.Lfunc_end2:
_tile_overlayer_lowered:
.L_overlay_start_2:
0x139: {  	(tag) =	ssettag $0x2  }
0x13a: {  	s0 =	rddreg [dreg:$0x0];
	s2 =	stileid.u32  }
0x13b: {  	s1 =	rddreg [dreg:$0x1];
	p0 =	sne.s32 s2, $0x0  }
0x13c: {  	s3 =	rddreg [dreg:$0x2];
	[bflag:$0x3] =	sbarrier.arrive $0xFFFF;
	s2 =	simm.s32 @!p0 $0x1C0D  }
0x13d: {  	[timem:s3], [sflag:s2] =	dma.local @!p0 [hbm:s0], s1  }
0x13e: {  	s0 =	simm.s32 @!p0 $0xD  }
0x13f: {  	_ =	swait.ge @!p0 [sflag:s0], s1  }
0x140: {  	s1 =	ssub.s32 @!p0 $0x0, s1;
	[sflag:s0] =	ssyncset.done @!p0 $0x0  }
0x141: {  	[sflag:s0] =	ssyncadd.s32 @!p0 s1  }
0x142: {  	[bflag:$0x3] =	sbarrier.arrive $0xFFFF  }
0x143: {  	_ =	shalt  }

// kernel: sparse-core-data-format-call.cloned.1.call-start
scs
called_computation_lowered:
.L_overlay_start_0:
0x0: {  	s2 =	sld [smem:$0x3FD9]  }
0x1: {  	s3 =	sld [smem:$0x3FFE];
	_ =	sdelay $0x1  }
0x2: {  	s1 =	srdreg.scid  }
0x3: {  	s0 =	sand.u32 $0x1, s1  }
0x4: {  	s18 =	sshll.u32 s0, $0xA;
	s2 =	sadd.s32 s3, s2  }
0x5: {  	s2 =	sadd.s32 s2, s18  }
0x6: {  	[smem:$0x3FC2] =	sst s2  }
0x7: {  	_ = 	snop  }
0x8: {  	s2 =	sld [smem:$0x3FD0];
	(tm) =	ssettm $0x1  }
0x9: {  	s19 =	sld [smem:$0x3FFB];
	_ =	sdelay $0x3  }
0xa: {  	_ =	strace s19  }
0xb: {  	s3 =	sld [smem:$0x3FFC];
	_ =	sdelay $0x3  }
0xc: {  	_ =	strace s3  }
0xd: {  	s3 =	sld [smem:$0x3FFD];
	_ =	sdelay $0x3  }
0xe: {  	_ =	strace s3  }
0xf: {  	_ =	strace $0x8FFFFFFF  }
0x10: {  	s20 =	sld [smem:$0x3FDB];
	_ =	sdelay $0x1  }
0x11: {  	s4 =	simm.s32 $_scs_section_size  }
0x12: {  	s5 =	simm.s32 $_size__tile_overlayer_lowered;
	s6 =	simm.s32 $_tile_overlayer_lowered  }
0x13: {  	s23 =	simm.s32 $0x1BFF;
	s22 =	sshll.u32 s6, $0x1;
	s3 =	sadd.s32 s4, s20  }
0x14: {  	s7 =	simm.s32 $0x0;
	s21 =	sshll.u32 s5, $0x1;
	s5 =	sadd.s32 s22, s3  }
0x15: {  	[timem:s7], [sflag:s23] =	dma.local [hbm:s5], s21  }
0x16: {  	_ =	swait.ge [sflag:s23], s21  }
0x17: {  	s4 =	ssub.s32 $0x0, s21;
	[sflag:s23] =	ssyncset.done $0x0  }
0x18: {  	[sflag:s23] =	ssyncadd.s32 s4;
	_ =	sdelay $0x1  }
0x19: {  	s24 =	simm.s32 $0x1B8B  }
0x1a: {  	_ =	swait.ge [sflag:s24], $0x1  }
0x1b: {  	[sflag:s24] =	ssyncset.done $0x0  }
0x1c: {  	s26 =	simm.s32 $0x1B8E;
	s25 =	sld [smem:$0x3FFE];
	[sflag:s24] =	ssyncadd.s32 $0xFFFFFFFF  }
0x1d: {  	s27 =	simm.s32 $execute0_lowered;
	[smem:$0x3FD2] =	sst s26  }
0x1e: {  	s5 =	sshll.u32 s27, $0x1;
	_ =	strace $0x80000049;
	[dreg:$0x1] =	wrdreg $0xFFFFFFFF  }
0x1f: {  	s28 =	simm.s32 $_size_execute0_lowered;
	s3 =	sadd.s32 s3, s5;
	[dreg:$0x0] =	wrdreg $0x0  }
0x20: {  	s5 =	sshll.u32 s28, $0x1;
	[dreg:$0x2] =	wrdreg s3  }
0x21: {  	[dreg:$0x3] =	wrdreg s5  }
0x22: {  	[dreg:$0x4] =	wrdreg $0xC0  }
0x23: {  	_ =	task [dreg:s7], $0x5FFFF  }
0x24: {  	[dreg:$0x1] =	wrdreg $0xFFFFFFFF  }
0x25: {  	[dreg:$0x0] =	wrdreg $0x60  }
0x26: {  	[dreg:$0x2] =	wrdreg s25  }
0x27: {  	[dreg:$0x3] =	wrdreg s2  }
0x28: {  	[dreg:$0x4] =	wrdreg $0x9  }
0x29: {  	_ =	task.clear_ibuf [dreg:s7], $0x5FFFF;
	_ =	strace $0x90000049  }
0x2a: {  	s29 =	simm.s32 $0x9;
	_ =	strace $0x8000004B  }
0x2b: {  	_ =	swait.ge [sflag:s29], $0x1  }
0x2c: {  	[sflag:s29] =	ssyncadd.s32 $0xFFFFFFFF  }
0x2d: {  	_ =	strace $0x9000004B  }
0x2e: {  	_ =	sfence  }
0x2f: {  	s30 =	sld [smem:$0x0];
	_ =	sdelay $0x2  }
0x30: {  	s31 =	sshll.u32 s1, $0xD;
	s1 =	sshrl.u32 s1, $0x2  }
0x31: {  	s3 =	sand.u32 $0x4000, s31;
	s1 =	sadd.s32 s1, s30  }
0x32: {  	s0 =	sor.u32 s3, s0;
	s1 =	sshll.u32 s1, $0x11  }
0x33: {  	s0 =	sor.u32 s1, s0  }
0x34: {  	s0 =	sadd.s32 $0x8F2B, s0  }
0x35: {  	[sflag:s0] =	ssyncadd.remote.s32 $0x1  }
0x36: {  	_ =	sfence.sel $0xFFFF  }
0x37: {  	[dreg:$0x0] =	wrdreg $0xFFFFFFFF;
	(pc) =	sbr.abs _section_cstart, $3  }
0x38: {  	[dreg:$0x1] =	wrdreg $0xFFFFFFFF  }
0x39: {  	_ =	task.clear_ibuf [dreg:s7], $0x2FFFF;
	_ =	strace $0x9FFFFFFF  }
0x3a: {  	(tm) =	ssettm $0x7FFFFFFF  }
0x3b: {  	_ =	shalt  }
tec
execute0_lowered:
.L_overlay_start_1:
0x0: {  	(tag) =	ssettag $0x1  }
0x1: {  	s0 =	srdreg.scid  }
0x2: {  	s1 =	sshll.u32 s0, $0x4  }
0x3: {  	s4 =	rddreg [dreg:$0x0];
	s0 =	stileid.u32;
	s1 =	sand.u32 $0x10, s1  }
0x4: {  	s2 =	rddreg [dreg:$0x1];
	s7 =	simm.s32 $0x1;
	s1 =	sor.u32 s0, s1  }
0x5: {  	s8 =	simm.s32 $0x2;
	s11 =	simm.s32 $0x0;
	s3 =	sshll.u32 s1, $0x7  }
0x6: {  	s10 =	simm.s32 $0x0;
	s4 =	sadd.s32 $0xE00, s4;
	s6 =	ssub.s32 $0xC3500, s3  }
.Ltmp0:
0x7: {  	s1 =	rddreg [dreg:$0x2];
	s5 =	sand.u32 $0xF80, s6;
	(pc) =	sbr.rel .LBB1_1-.Ltmp0, $4  }
0x8: {  	_ =	strace $0x8000004A;
	s9 =	smov.u32 s3;
	p0 =	sne.s32 s5, $0x0  }
0x9: {  	s6 =	sshrl.u32 s6, $0xC;
	s5 =	simm.s32 $0x1;
	s7 =	simm.s32 @!p0 $0x0  }
0xa: {  	[sflag:s5] =	ssyncpa.u1 $0x0;
	p0 =	por $0x0, $0x0;
	s6 =	sadd.s32 s7, s6  }
0xb: {  	[sflag:s8] =	ssyncpa.u1 $0x0;
	s8 =	simm.s32 $0x61A800;
	s7 =	sadd.s32 $0x1, s6  }
.LBB1_4:
0xc: {  	s14 =	sshll.u32 s11, $0x3  }
0xd: {  	s14 =	sand.u32 $0xFFFFFC00, s14  }
0xe: {  	s15 =	sshrl.u32 s14, $0x8  }
0xf: {  	s15 =	smulhi.u32 $0x14F8B59, s15;
	_ =	sdelay $0x1  }
0x10: {  	s15 =	sshrl.u32 s15, $0x4  }
0x11: {  	s28 =	sand.u32 $0x7F, s11;
	s16 =	smul.u32 $0xC3500, s15  }
0x12: {  	s11 =	sor.u32 s28, s14  }
0x13: {  	s29 =	sand.u32 $0x3F, s15;
	s11 =	ssub.s32 s11, s16  }
0x14: {  	[tilespmem:s13+$0x810 ss:$0x81] =	vst.msk $0xffff, v2;
	s14 =	smul.u32 $0x186A0, s29;
	s30 =	sshrl.u32 s11, $0x3;
	s11 =	sand.u32 $0x7, s11  }
0x15: {  	[tilespmem:s13+$0x1020 ss:$0x81] =	vst.msk $0xffff, v0;
	s15 =	sadd.s32 s2, s30;
	s11 =	sshll.u32 s11, $0x12  }
0x16: {  	[tilespmem:s13+$0x0 ss:$0x81] =	vst.msk $0xffff, v1;
	s31 =	sadd.s32 s14, s15;
	s11 =	sor.u32 $0x400, s11  }
0x17: {  	[hbm4b:s31+s11] =	stream.strided.scatter [tilespmem:s12], [sflag:$0x2], $0x2000, s8, s11, $0x20;
	[tilespmem:$0x8080] =	vst v63  }
.LBB1_5:
0x18: {  	s13 =	sadd.s32 $0x1000, s9  }
0x19: {  	p2 =	sgt.s32 s13, $0xC34FF  }
0x1a: {  	s13 =	smov.u32 @p2 s3;
	p2 =	sne.s32 s10, s7  }
.Ltmp1:
0x1b: {  	p1 =	slt.u32 s10, $0x2;
	(pc) =	sbr.rel @!p2 .LBB1_6-.Ltmp1, $4  }
0x1c: {  	s12 =	simm.s32 @!p1 $0x2  }
0x1d: {  	s14 =	sadd.s32 $0x1, s10;
	_ =	swait.ge @!p1 [sflag:s12], $0x2000  }
0x1e: {  	s11 =	smov.u32 s9;
	p0 =	por !p0, !p0;
	[sflag:s12] =	ssyncset.done @!p1 $0x0  }
0x1f: {  	s10 =	smov.u32 s14;
	s9 =	smov.u32 s13;
	[sflag:s12] =	ssyncadd.s32 @!p1 $0xFFFFE000  }
.LBB1_1:
0x20: {  	p1 =	sge.u32 s10, s6  }
0x21: {  	s12 =	sand.u32 @!p1 $0x1FFFFFF, s9  }
0x22: {  	s13 =	smulhi.u32 @!p1 $0x14F8B59, s12;
	_ =	sdelay $0x1  }
0x23: {  	s13 =	sshrl.u32 @!p1 s13, $0xC  }
0x24: {  	s13 =	smul.u32 @!p1 $0xC3500, s13;
	_ =	sdelay $0x1  }
0x25: {  	s31 =	sadd.s32 $0xFFFFFFFF, s10;
	s14 =	sxor.u32 @!p1 $0xFFFFFFFF, s10;
	s12 =	ssub.s32 @!p1 s12, s13  }
0x26: {  	s15 =	simm.s32 @!p1 $0x80;
	s14 =	sshll.u32 @!p1 s14, $0xD;
	s12 =	sshll.u32 @!p1 s12, $0x4  }
0x27: {  	s13 =	sand.u32 @!p1 $0x2000, s14;
	s14 =	simm.s32 @!p1 $0x40;
	s12 =	sadd.s32 @!p1 s4, s12  }
0x28: {  	[tilespmem:s13], [sflag:$0x1] =	stream.strided.gather @!p1 [hbm4b:s12+s14], $0x2000, s15, s14, $0x38;
	[tilespmem:$0x8080] =	vst v63  }
0x29: {  	p1 =	sge.u32 s31, s6  }
.Ltmp2:
0x2a: {  	_ = 	snop;
	(pc) =	sbr.rel @p1 .LBB1_5-.Ltmp2, $1  }
0x2b: {  	_ =	sdelay $0x3  }
0x2c: {  	s12 =	simm.s32 $0x1  }
0x2d: {  	_ =	swait.ge [sflag:s5], $0x2000;
	s12 =	simm.s32 @!p0 $0x0  }
0x2e: {  	[sflag:s5] =	ssyncset.done $0x0;
	s13 =	sshll.u32 s12, $0xD  }
0x2f: {  	[sflag:s5] =	ssyncadd.s32 $0xFFFFE000;
	s16 =	sor.u32 $0x20, s13  }
0x30: {  	s12 =	smul.u32 $0x8100, s12;
	v3 =	vld [tilespmem:s16+$0x10]  }
0x31: {  	s30 =	sand.u32 $0x1, s10;
	v2 =	vld [tilespmem:s16+$0xFFFFFFF0]  }
0x32: {  	s13 =	smul.u32 $0x8100, s30;
	s12 =	sshrl.u32 s12, $0x2;
	v0 =	vld [tilespmem:s16+$0x0]  }
0x33: {  	v1 =	vld [tilespmem:s16+$0xFFFFFFE0];
	s14 =	sor.u32 $0x4000, s12  }
0x34: {  	s31 =	sshrl.u32 s13, $0x2;
	s13 =	sadd.s32 $0x0, s14  }
0x35: {  	s15 =	simm.s32 $0x4;
	s16 =	sadd.s32 $0x40, s16;
	s12 =	sor.u32 $0x4000, s31;
	[tilespmem:s13+$0x1830 ss:$0x81] =	vst.msk $0xffff, v3  }
.LBB1_3:
0x36: {  	v3 =	vld [tilespmem:s16+$0x10];
	p1 =	sne.s32 s15, $0x1FC;
	[tilespmem:s13+$0x810 ss:$0x81] =	vst.msk $0xffff, v2;
	s17 =	smov.u32 s15;
	s15 =	sadd.s32 $0x4, s15  }
.Ltmp3:
0x37: {  	v2 =	vld [tilespmem:s16+$0xFFFFFFF0];
	[tilespmem:s13+$0x1020 ss:$0x81] =	vst.msk $0xffff, v0;
	(pc) =	sbr.rel @p1 .LBB1_3-.Ltmp3, $4  }
0x38: {  	v0 =	vld [tilespmem:s16+$0x0];
	[tilespmem:s13+$0x0 ss:$0x81] =	vst.msk $0xffff, v1  }
0x39: {  	s13 =	sshra.s32 s17, $0x2;
	v1 =	vld [tilespmem:s16+$0xFFFFFFE0]  }
0x3a: {  	s13 =	sadd.s32 s13, s14  }
0x3b: {  	s16 =	sadd.s32 $0x40, s16;
	[tilespmem:s13+$0x1830 ss:$0x81] =	vst.msk $0xffff, v3  }
.Ltmp4:
0x3c: {  	_ = 	snop;
	(pc) =	sbr.rel .LBB1_4-.Ltmp4, $1  }
0x3d: {  	_ =	sdelay $0x3  }
.LBB1_6:
0x3e: {  	_ =	sfence.sel $0x180000  }
0x3f: {  	s2 =	simm.s32 $0x1;
	[bflag:$0x0] =	sbarrier.arrive $0xFFFF  }
0x40: {  	s31 =	simm.s32 $0x2;
	[sflag:s2] =	ssyncpa.u1 $0x1  }
0x41: {  	[sflag:s31] =	ssyncpa.u1 $0x1  }
0x42: {  	p0 =	sne.s32 s0, $0x0;
	_ =	strace $0x9000004A  }
0x43: {  	s0 =	sadd.s32 @!p0 $0x100000, s1;
	[bflag:$0x2] =	sbarrier.arrive $0xFFFF  }
0x44: {  	[sflag:s0] =	ssyncadd.tile.s32 @!p0 $0x1;
	_ =	shalt  }
.Lfunc_end1:
_tile_overlayer_lowered:
.L_overlay_start_2:
0x45: {  	(tag) =	ssettag $0x2  }
0x46: {  	s0 =	rddreg [dreg:$0x0];
	s2 =	stileid.u32  }
0x47: {  	s1 =	rddreg [dreg:$0x1];
	p0 =	sne.s32 s2, $0x0  }
0x48: {  	s3 =	rddreg [dreg:$0x2];
	[bflag:$0x3] =	sbarrier.arrive $0xFFFF;
	s2 =	simm.s32 @!p0 $0x1C01  }
0x49: {  	[timem:s3], [sflag:s2] =	dma.local @!p0 [hbm:s0], s1  }
0x4a: {  	s0 =	simm.s32 @!p0 $0x1  }
0x4b: {  	_ =	swait.ge @!p0 [sflag:s0], s1  }
0x4c: {  	s1 =	ssub.s32 @!p0 $0x0, s1;
	[sflag:s0] =	ssyncset.done @!p0 $0x0  }
0x4d: {  	[sflag:s0] =	ssyncadd.s32 @!p0 s1  }
0x4e: {  	[bflag:$0x3] =	sbarrier.arrive $0xFFFF  }
0x4f: {  	_ =	shalt  }

</sc_bundles>
